<compile_context>
chip_gen: v7x
topology: tpu7x:2x2x1
jax: 0.10.2.dev20260603
libtpu: 0.0.44.dev20260713+nightly
codegen_flags: <defaults>
</compile_context>

<pallas_src>
import functools

import jax
import jax.numpy as jnp
from jax import lax
from jax.experimental import pallas as pl
from jax.experimental.pallas import tpu as pltpu
from jax.experimental.pallas import tpu_sc as plsc


def kernel(x, emb):
    seq_len = x.shape[1]
    d_model = emb.shape[1]
    info = plsc.get_sparse_core_info()
    nc, ns = info.num_cores, info.num_subcores
    nw = nc * ns
    rows_per_w = seq_len // nw
    mesh = plsc.VectorSubcoreMesh(core_axis_name="c", subcore_axis_name="s")

    ch = 16
    nbuf = 2
    ahead = 1
    nch = rows_per_w // ch

    @functools.partial(
        pl.kernel,
        mesh=mesh,
        out_type=jax.ShapeDtypeStruct((seq_len, d_model), jnp.float32),
        scratch_types=(
            [pltpu.VMEM_SHARED((nbuf, ns, ch, d_model), jnp.float32)]
            + [pltpu.SemaphoreType.DMA] * (2 * nbuf)
        ),
    )
    def copy_k(emb_hbm, out_hbm, buf, *sems):
        sin = sems[:nbuf]
        sout = sems[nbuf:]
        sid = lax.axis_index("s")
        wid = sid * nc + lax.axis_index("c")
        base = wid * rows_per_w

        def start_in(k):
            return pltpu.async_copy(
                emb_hbm.at[pl.ds(base + k * ch, ch)],
                buf.at[k % nbuf, sid],
                sin[k % nbuf],
            )

        def start_out(k):
            return pltpu.async_copy(
                buf.at[k % nbuf, sid],
                out_hbm.at[pl.ds(base + k * ch, ch)],
                sout[k % nbuf],
            )

        in_cp = [None] * nbuf
        out_cp = [None] * nbuf
        for j in range(min(ahead, nch)):
            in_cp[j % nbuf] = start_in(j)
        for i in range(nch):
            s = i % nbuf
            k = i + ahead
            if k < nch:
                sk = k % nbuf
                if out_cp[sk] is not None:
                    out_cp[sk].wait()
                    out_cp[sk] = None
                in_cp[sk] = start_in(k)
            in_cp[s].wait()
            out_cp[s] = start_out(i)
        for s in range(nbuf):
            if out_cp[s] is not None:
                out_cp[s].wait()

    out = copy_k(emb[:seq_len])
    return out[None]

# --- scband reference (transcript-rebuilt; emitter-appended) ---
"""Pipeline reference for scband-absolute-positional-embedding-15994458210649 (READ-ONLY COPY).

The authoritative reference and input builder live on the scoring server;
editing this copy changes nothing except your own understanding.
"""

import jax, jax.numpy as jnp
import numpy as np

MAX_SEQ_LEN = 8192
D_MODEL = 2048

def setup_inputs(seed: int = 0) -> dict:
    key = jax.random.key(seed)
    k1, k2 = jax.random.split(key)
    x = jax.random.normal(k1, (4, 8192, D_MODEL), dtype=jnp.float32)
    emb = jax.random.normal(k2, (MAX_SEQ_LEN, D_MODEL), dtype=jnp.float32) * 0.02
    return {"x": x, "emb": emb}

def reference(x, emb):
    seq_len = x.shape[1]
    positions = jnp.arange(0, seq_len)[None, :]  # [1, seq_len]
    out = jnp.take(emb, positions, axis=0)  # [1, seq_len, d_model]
    return out

if __name__ == "__main__":
    import jax
    _d = setup_inputs()
    print(jax.jit(kernel)(*tuple(_d.values())))

</pallas_src>

<mosaic_0001>
#map = affine_map<(d0, d1) -> (0, 0)>
module attributes {stable_mosaic.version = 14 : i64} {
  func.func @copy_k(%arg0: i32, %arg1: i32, %arg2: memref<8192x2048xf32, #tpu.memory_space<hbm>>, %arg3: memref<8192x2048xf32, #tpu.memory_space<hbm>>, %arg4: memref<2x16x16x2048xf32, #tpu.memory_space<vmem_shared>>, %arg5: memref<!tpu.dma_semaphore, #tpu.memory_space<semaphore_mem>>, %arg6: memref<!tpu.dma_semaphore, #tpu.memory_space<semaphore_mem>>, %arg7: memref<!tpu.dma_semaphore, #tpu.memory_space<semaphore_mem>>, %arg8: memref<!tpu.dma_semaphore, #tpu.memory_space<semaphore_mem>>) attributes {dimension_semantics = [#tpu.dimension_semantics<core_parallel>, #tpu.dimension_semantics<subcore_parallel>], iteration_bounds = array<i64: 2, 16>, scalar_prefetch = 0 : i64, scratch_operands = 5 : i64, tpu.core_type = #tpu.core_type<sc_vector_subcore>, window_params = [{transform_indices = #map}, {transform_indices = #map}]} {
    %mul3A = arith.constant 2 : i32
    %mul3A_0 = arith.muli %arg1, %mul3A : i32
    %add3A = arith.addi %mul3A_0, %arg0 : i32
    %mul3A_1 = arith.constant 256 : i32
    %mul3A_2 = arith.muli %add3A, %mul3A_1 : i32
    %add3A_3 = arith.constant 0 : i32
    %add3A_4 = arith.addi %mul3A_2, %add3A_3 : i32
    %dma_start3A = arith.constant 0 : i32
    %dma_start3A_5 = arith.constant 0 : i32
    %dma_start3A_6 = arith.constant 0 : i32
    %dma_start3A_7 = tpu.memref_slice %arg4[%dma_start3A, %arg1, %dma_start3A_5, %dma_start3A_6] : memref<2x16x16x2048xf32, #tpu.memory_space<vmem_shared>> -> memref<1x1x16x2048xf32, #tpu.memory_space<vmem_shared>>
    %dma_start3A_8 = tpu.memref_squeeze %dma_start3A_7 : memref<1x1x16x2048xf32, #tpu.memory_space<vmem_shared>> -> memref<16x2048xf32, #tpu.memory_space<vmem_shared>>
    %dma_start3A_9 = arith.constant 0 : i32
    %dma_start3A_10 = tpu.memref_slice %arg2[%add3A_4, %dma_start3A_9] : memref<8192x2048xf32, #tpu.memory_space<hbm>> -> memref<16x2048xf32, #tpu.memory_space<hbm>>
    tpu.enqueue_dma source(%dma_start3A_10 : memref<16x2048xf32, #tpu.memory_space<hbm>>) target(%dma_start3A_8 : memref<16x2048xf32, #tpu.memory_space<vmem_shared>>) target_semaphore(%arg5 : memref<!tpu.dma_semaphore, #tpu.memory_space<semaphore_mem>>)
    %add3A_11 = arith.constant 16 : i32
    %add3A_12 = arith.addi %mul3A_2, %add3A_11 : i32
    %dma_start3A_13 = arith.constant 1 : i32
    %dma_start3A_14 = arith.constant 0 : i32
    %dma_start3A_15 = arith.constant 0 : i32
    %dma_start3A_16 = tpu.memref_slice %arg4[%dma_start3A_13, %arg1, %dma_start3A_14, %dma_start3A_15] : memref<2x16x16x2048xf32, #tpu.memory_space<vmem_shared>> -> memref<1x1x16x2048xf32, #tpu.memory_space<vmem_shared>>
    %dma_start3A_17 = tpu.memref_squeeze %dma_start3A_16 : memref<1x1x16x2048xf32, #tpu.memory_space<vmem_shared>> -> memref<16x2048xf32, #tpu.memory_space<vmem_shared>>
    %dma_start3A_18 = arith.constant 0 : i32
    %dma_start3A_19 = tpu.memref_slice %arg2[%add3A_12, %dma_start3A_18] : memref<8192x2048xf32, #tpu.memory_space<hbm>> -> memref<16x2048xf32, #tpu.memory_space<hbm>>
    tpu.enqueue_dma source(%dma_start3A_19 : memref<16x2048xf32, #tpu.memory_space<hbm>>) target(%dma_start3A_17 : memref<16x2048xf32, #tpu.memory_space<vmem_shared>>) target_semaphore(%arg6 : memref<!tpu.dma_semaphore, #tpu.memory_space<semaphore_mem>>)
    %dma_wait3A = arith.constant 0 : i32
    %dma_wait3A_20 = arith.constant 0 : i32
    %dma_wait3A_21 = arith.constant 0 : i32
    %dma_wait3A_22 = tpu.memref_slice %arg4[%dma_wait3A, %arg1, %dma_wait3A_20, %dma_wait3A_21] : memref<2x16x16x2048xf32, #tpu.memory_space<vmem_shared>> -> memref<1x1x16x2048xf32, #tpu.memory_space<vmem_shared>>
    %dma_wait3A_23 = tpu.memref_squeeze %dma_wait3A_22 : memref<1x1x16x2048xf32, #tpu.memory_space<vmem_shared>> -> memref<16x2048xf32, #tpu.memory_space<vmem_shared>>
    %dma_wait3A_24 = arith.constant 0 : i32
    %dma_wait3A_25 = tpu.memref_slice %arg2[%add3A_4, %dma_wait3A_24] : memref<8192x2048xf32, #tpu.memory_space<hbm>> -> memref<16x2048xf32, #tpu.memory_space<hbm>>
    tpu.wait_dma2 semaphore(%arg5 : memref<!tpu.dma_semaphore, #tpu.memory_space<semaphore_mem>>) src(%dma_wait3A_25 : memref<16x2048xf32, #tpu.memory_space<hbm>>) dst(%dma_wait3A_23 : memref<16x2048xf32, #tpu.memory_space<vmem_shared>>)
    %add3A_26 = arith.constant 0 : i32
    %add3A_27 = arith.addi %mul3A_2, %add3A_26 : i32
    %dma_start3A_28 = arith.constant 0 : i32
    %dma_start3A_29 = arith.constant 0 : i32
    %dma_start3A_30 = tpu.memref_slice %arg3[%add3A_27, %dma_start3A_29] : memref<8192x2048xf32, #tpu.memory_space<hbm>> -> memref<16x2048xf32, #tpu.memory_space<hbm>>
    %dma_start3A_31 = arith.constant 0 : i32
    %dma_start3A_32 = arith.constant 0 : i32
    %dma_start3A_33 = tpu.memref_slice %arg4[%dma_start3A_28, %arg1, %dma_start3A_31, %dma_start3A_32] : memref<2x16x16x2048xf32, #tpu.memory_space<vmem_shared>> -> memref<1x1x16x2048xf32, #tpu.memory_space<vmem_shared>>
    %dma_start3A_34 = tpu.memref_squeeze %dma_start3A_33 : memref<1x1x16x2048xf32, #tpu.memory_space<vmem_shared>> -> memref<16x2048xf32, #tpu.memory_space<vmem_shared>>
    tpu.enqueue_dma source(%dma_start3A_34 : memref<16x2048xf32, #tpu.memory_space<vmem_shared>>) target(%dma_start3A_30 : memref<16x2048xf32, #tpu.memory_space<hbm>>) target_semaphore(%arg7 : memref<!tpu.dma_semaphore, #tpu.memory_space<semaphore_mem>>)
    %dma_wait3A_35 = arith.constant 0 : i32
    %dma_wait3A_36 = arith.constant 0 : i32
    %dma_wait3A_37 = tpu.memref_slice %arg3[%add3A_27, %dma_wait3A_36] : memref<8192x2048xf32, #tpu.memory_space<hbm>> -> memref<16x2048xf32, #tpu.memory_space<hbm>>
    %dma_wait3A_38 = arith.constant 0 : i32
    %dma_wait3A_39 = arith.constant 0 : i32
    %dma_wait3A_40 = tpu.memref_slice %arg4[%dma_wait3A_35, %arg1, %dma_wait3A_38, %dma_wait3A_39] : memref<2x16x16x2048xf32, #tpu.memory_space<vmem_shared>> -> memref<1x1x16x2048xf32, #tpu.memory_space<vmem_shared>>
    %dma_wait3A_41 = tpu.memref_squeeze %dma_wait3A_40 : memref<1x1x16x2048xf32, #tpu.memory_space<vmem_shared>> -> memref<16x2048xf32, #tpu.memory_space<vmem_shared>>
    tpu.wait_dma2 semaphore(%arg7 : memref<!tpu.dma_semaphore, #tpu.memory_space<semaphore_mem>>) src(%dma_wait3A_41 : memref<16x2048xf32, #tpu.memory_space<vmem_shared>>) dst(%dma_wait3A_37 : memref<16x2048xf32, #tpu.memory_space<hbm>>)
    %add3A_42 = arith.constant 32 : i32
    %add3A_43 = arith.addi %mul3A_2, %add3A_42 : i32
    %dma_start3A_44 = arith.constant 0 : i32
    %dma_start3A_45 = arith.constant 0 : i32
    %dma_start3A_46 = arith.constant 0 : i32
    %dma_start3A_47 = tpu.memref_slice %arg4[%dma_start3A_44, %arg1, %dma_start3A_45, %dma_start3A_46] : memref<2x16x16x2048xf32, #tpu.memory_space<vmem_shared>> -> memref<1x1x16x2048xf32, #tpu.memory_space<vmem_shared>>
    %dma_start3A_48 = tpu.memref_squeeze %dma_start3A_47 : memref<1x1x16x2048xf32, #tpu.memory_space<vmem_shared>> -> memref<16x2048xf32, #tpu.memory_space<vmem_shared>>
    %dma_start3A_49 = arith.constant 0 : i32
    %dma_start3A_50 = tpu.memref_slice %arg2[%add3A_43, %dma_start3A_49] : memref<8192x2048xf32, #tpu.memory_space<hbm>> -> memref<16x2048xf32, #tpu.memory_space<hbm>>
    tpu.enqueue_dma source(%dma_start3A_50 : memref<16x2048xf32, #tpu.memory_space<hbm>>) target(%dma_start3A_48 : memref<16x2048xf32, #tpu.memory_space<vmem_shared>>) target_semaphore(%arg5 : memref<!tpu.dma_semaphore, #tpu.memory_space<semaphore_mem>>)
    %dma_wait3A_51 = arith.constant 1 : i32
    %dma_wait3A_52 = arith.constant 0 : i32
    %dma_wait3A_53 = arith.constant 0 : i32
    %dma_wait3A_54 = tpu.memref_slice %arg4[%dma_wait3A_51, %arg1, %dma_wait3A_52, %dma_wait3A_53] : memref<2x16x16x2048xf32, #tpu.memory_space<vmem_shared>> -> memref<1x1x16x2048xf32, #tpu.memory_space<vmem_shared>>
    %dma_wait3A_55 = tpu.memref_squeeze %dma_wait3A_54 : memref<1x1x16x2048xf32, #tpu.memory_space<vmem_shared>> -> memref<16x2048xf32, #tpu.memory_space<vmem_shared>>
    %dma_wait3A_56 = arith.constant 0 : i32
    %dma_wait3A_57 = tpu.memref_slice %arg2[%add3A_12, %dma_wait3A_56] : memref<8192x2048xf32, #tpu.memory_space<hbm>> -> memref<16x2048xf32, #tpu.memory_space<hbm>>
    tpu.wait_dma2 semaphore(%arg6 : memref<!tpu.dma_semaphore, #tpu.memory_space<semaphore_mem>>) src(%dma_wait3A_57 : memref<16x2048xf32, #tpu.memory_space<hbm>>) dst(%dma_wait3A_55 : memref<16x2048xf32, #tpu.memory_space<vmem_shared>>)
    %add3A_58 = arith.constant 16 : i32
    %add3A_59 = arith.addi %mul3A_2, %add3A_58 : i32
    %dma_start3A_60 = arith.constant 1 : i32
    %dma_start3A_61 = arith.constant 0 : i32
    %dma_start3A_62 = tpu.memref_slice %arg3[%add3A_59, %dma_start3A_61] : memref<8192x2048xf32, #tpu.memory_space<hbm>> -> memref<16x2048xf32, #tpu.memory_space<hbm>>
    %dma_start3A_63 = arith.constant 0 : i32
    %dma_start3A_64 = arith.constant 0 : i32
    %dma_start3A_65 = tpu.memref_slice %arg4[%dma_start3A_60, %arg1, %dma_start3A_63, %dma_start3A_64] : memref<2x16x16x2048xf32, #tpu.memory_space<vmem_shared>> -> memref<1x1x16x2048xf32, #tpu.memory_space<vmem_shared>>
    %dma_start3A_66 = tpu.memref_squeeze %dma_start3A_65 : memref<1x1x16x2048xf32, #tpu.memory_space<vmem_shared>> -> memref<16x2048xf32, #tpu.memory_space<vmem_shared>>
    tpu.enqueue_dma source(%dma_start3A_66 : memref<16x2048xf32, #tpu.memory_space<vmem_shared>>) target(%dma_start3A_62 : memref<16x2048xf32, #tpu.memory_space<hbm>>) target_semaphore(%arg8 : memref<!tpu.dma_semaphore, #tpu.memory_space<semaphore_mem>>)
    %dma_wait3A_67 = arith.constant 1 : i32
    %dma_wait3A_68 = arith.constant 0 : i32
    %dma_wait3A_69 = tpu.memref_slice %arg3[%add3A_59, %dma_wait3A_68] : memref<8192x2048xf32, #tpu.memory_space<hbm>> -> memref<16x2048xf32, #tpu.memory_space<hbm>>
    %dma_wait3A_70 = arith.constant 0 : i32
    %dma_wait3A_71 = arith.constant 0 : i32
    %dma_wait3A_72 = tpu.memref_slice %arg4[%dma_wait3A_67, %arg1, %dma_wait3A_70, %dma_wait3A_71] : memref<2x16x16x2048xf32, #tpu.memory_space<vmem_shared>> -> memref<1x1x16x2048xf32, #tpu.memory_space<vmem_shared>>
    %dma_wait3A_73 = tpu.memref_squeeze %dma_wait3A_72 : memref<1x1x16x2048xf32, #tpu.memory_space<vmem_shared>> -> memref<16x2048xf32, #tpu.memory_space<vmem_shared>>
    tpu.wait_dma2 semaphore(%arg8 : memref<!tpu.dma_semaphore, #tpu.memory_space<semaphore_mem>>) src(%dma_wait3A_73 : memref<16x2048xf32, #tpu.memory_space<vmem_shared>>) dst(%dma_wait3A_69 : memref<16x2048xf32, #tpu.memory_space<hbm>>)
    %add3A_74 = arith.constant 48 : i32
    %add3A_75 = arith.addi %mul3A_2, %add3A_74 : i32
    %dma_start3A_76 = arith.constant 1 : i32
    %dma_start3A_77 = arith.constant 0 : i32
    %dma_start3A_78 = arith.constant 0 : i32
    %dma_start3A_79 = tpu.memref_slice %arg4[%dma_start3A_76, %arg1, %dma_start3A_77, %dma_start3A_78] : memref<2x16x16x2048xf32, #tpu.memory_space<vmem_shared>> -> memref<1x1x16x2048xf32, #tpu.memory_space<vmem_shared>>
    %dma_start3A_80 = tpu.memref_squeeze %dma_start3A_79 : memref<1x1x16x2048xf32, #tpu.memory_space<vmem_shared>> -> memref<16x2048xf32, #tpu.memory_space<vmem_shared>>
    %dma_start3A_81 = arith.constant 0 : i32
    %dma_start3A_82 = tpu.memref_slice %arg2[%add3A_75, %dma_start3A_81] : memref<8192x2048xf32, #tpu.memory_space<hbm>> -> memref<16x2048xf32, #tpu.memory_space<hbm>>
    tpu.enqueue_dma source(%dma_start3A_82 : memref<16x2048xf32, #tpu.memory_space<hbm>>) target(%dma_start3A_80 : memref<16x2048xf32, #tpu.memory_space<vmem_shared>>) target_semaphore(%arg6 : memref<!tpu.dma_semaphore, #tpu.memory_space<semaphore_mem>>)
    %dma_wait3A_83 = arith.constant 0 : i32
    %dma_wait3A_84 = arith.constant 0 : i32
    %dma_wait3A_85 = arith.constant 0 : i32
    %dma_wait3A_86 = tpu.memref_slice %arg4[%dma_wait3A_83, %arg1, %dma_wait3A_84, %dma_wait3A_85] : memref<2x16x16x2048xf32, #tpu.memory_space<vmem_shared>> -> memref<1x1x16x2048xf32, #tpu.memory_space<vmem_shared>>
    %dma_wait3A_87 = tpu.memref_squeeze %dma_wait3A_86 : memref<1x1x16x2048xf32, #tpu.memory_space<vmem_shared>> -> memref<16x2048xf32, #tpu.memory_space<vmem_shared>>
    %dma_wait3A_88 = arith.constant 0 : i32
    %dma_wait3A_89 = tpu.memref_slice %arg2[%add3A_43, %dma_wait3A_88] : memref<8192x2048xf32, #tpu.memory_space<hbm>> -> memref<16x2048xf32, #tpu.memory_space<hbm>>
    tpu.wait_dma2 semaphore(%arg5 : memref<!tpu.dma_semaphore, #tpu.memory_space<semaphore_mem>>) src(%dma_wait3A_89 : memref<16x2048xf32, #tpu.memory_space<hbm>>) dst(%dma_wait3A_87 : memref<16x2048xf32, #tpu.memory_space<vmem_shared>>)
    %add3A_90 = arith.constant 32 : i32
    %add3A_91 = arith.addi %mul3A_2, %add3A_90 : i32
    %dma_start3A_92 = arith.constant 0 : i32
    %dma_start3A_93 = arith.constant 0 : i32
    %dma_start3A_94 = tpu.memref_slice %arg3[%add3A_91, %dma_start3A_93] : memref<8192x2048xf32, #tpu.memory_space<hbm>> -> memref<16x2048xf32, #tpu.memory_space<hbm>>
    %dma_start3A_95 = arith.constant 0 : i32
    %dma_start3A_96 = arith.constant 0 : i32
    %dma_start3A_97 = tpu.memref_slice %arg4[%dma_start3A_92, %arg1, %dma_start3A_95, %dma_start3A_96] : memref<2x16x16x2048xf32, #tpu.memory_space<vmem_shared>> -> memref<1x1x16x2048xf32, #tpu.memory_space<vmem_shared>>
    %dma_start3A_98 = tpu.memref_squeeze %dma_start3A_97 : memref<1x1x16x2048xf32, #tpu.memory_space<vmem_shared>> -> memref<16x2048xf32, #tpu.memory_space<vmem_shared>>
    tpu.enqueue_dma source(%dma_start3A_98 : memref<16x2048xf32, #tpu.memory_space<vmem_shared>>) target(%dma_start3A_94 : memref<16x2048xf32, #tpu.memory_space<hbm>>) target_semaphore(%arg7 : memref<!tpu.dma_semaphore, #tpu.memory_space<semaphore_mem>>)
    %dma_wait3A_99 = arith.constant 0 : i32
    %dma_wait3A_100 = arith.constant 0 : i32
    %dma_wait3A_101 = tpu.memref_slice %arg3[%add3A_91, %dma_wait3A_100] : memref<8192x2048xf32, #tpu.memory_space<hbm>> -> memref<16x2048xf32, #tpu.memory_space<hbm>>
    %dma_wait3A_102 = arith.constant 0 : i32
    %dma_wait3A_103 = arith.constant 0 : i32
    %dma_wait3A_104 = tpu.memref_slice %arg4[%dma_wait3A_99, %arg1, %dma_wait3A_102, %dma_wait3A_103] : memref<2x16x16x2048xf32, #tpu.memory_space<vmem_shared>> -> memref<1x1x16x2048xf32, #tpu.memory_space<vmem_shared>>
    %dma_wait3A_105 = tpu.memref_squeeze %dma_wait3A_104 : memref<1x1x16x2048xf32, #tpu.memory_space<vmem_shared>> -> memref<16x2048xf32, #tpu.memory_space<vmem_shared>>
    tpu.wait_dma2 semaphore(%arg7 : memref<!tpu.dma_semaphore, #tpu.memory_space<semaphore_mem>>) src(%dma_wait3A_105 : memref<16x2048xf32, #tpu.memory_space<vmem_shared>>) dst(%dma_wait3A_101 : memref<16x2048xf32, #tpu.memory_space<hbm>>)
    %add3A_106 = arith.constant 64 : i32
    %add3A_107 = arith.addi %mul3A_2, %add3A_106 : i32
    %dma_start3A_108 = arith.constant 0 : i32
    %dma_start3A_109 = arith.constant 0 : i32
    %dma_start3A_110 = arith.constant 0 : i32
    %dma_start3A_111 = tpu.memref_slice %arg4[%dma_start3A_108, %arg1, %dma_start3A_109, %dma_start3A_110] : memref<2x16x16x2048xf32, #tpu.memory_space<vmem_shared>> -> memref<1x1x16x2048xf32, #tpu.memory_space<vmem_shared>>
    %dma_start3A_112 = tpu.memref_squeeze %dma_start3A_111 : memref<1x1x16x2048xf32, #tpu.memory_space<vmem_shared>> -> memref<16x2048xf32, #tpu.memory_space<vmem_shared>>
    %dma_start3A_113 = arith.constant 0 : i32
    %dma_start3A_114 = tpu.memref_slice %arg2[%add3A_107, %dma_start3A_113] : memref<8192x2048xf32, #tpu.memory_space<hbm>> -> memref<16x2048xf32, #tpu.memory_space<hbm>>
    tpu.enqueue_dma source(%dma_start3A_114 : memref<16x2048xf32, #tpu.memory_space<hbm>>) target(%dma_start3A_112 : memref<16x2048xf32, #tpu.memory_space<vmem_shared>>) target_semaphore(%arg5 : memref<!tpu.dma_semaphore, #tpu.memory_space<semaphore_mem>>)
    %dma_wait3A_115 = arith.constant 1 : i32
    %dma_wait3A_116 = arith.constant 0 : i32
    %dma_wait3A_117 = arith.constant 0 : i32
    %dma_wait3A_118 = tpu.memref_slice %arg4[%dma_wait3A_115, %arg1, %dma_wait3A_116, %dma_wait3A_117] : memref<2x16x16x2048xf32, #tpu.memory_space<vmem_shared>> -> memref<1x1x16x2048xf32, #tpu.memory_space<vmem_shared>>
    %dma_wait3A_119 = tpu.memref_squeeze %dma_wait3A_118 : memref<1x1x16x2048xf32, #tpu.memory_space<vmem_shared>> -> memref<16x2048xf32, #tpu.memory_space<vmem_shared>>
    %dma_wait3A_120 = arith.constant 0 : i32
    %dma_wait3A_121 = tpu.memref_slice %arg2[%add3A_75, %dma_wait3A_120] : memref<8192x2048xf32, #tpu.memory_space<hbm>> -> memref<16x2048xf32, #tpu.memory_space<hbm>>
    tpu.wait_dma2 semaphore(%arg6 : memref<!tpu.dma_semaphore, #tpu.memory_space<semaphore_mem>>) src(%dma_wait3A_121 : memref<16x2048xf32, #tpu.memory_space<hbm>>) dst(%dma_wait3A_119 : memref<16x2048xf32, #tpu.memory_space<vmem_shared>>)
    %add3A_122 = arith.constant 48 : i32
    %add3A_123 = arith.addi %mul3A_2, %add3A_122 : i32
    %dma_start3A_124 = arith.constant 1 : i32
    %dma_start3A_125 = arith.constant 0 : i32
    %dma_start3A_126 = tpu.memref_slice %arg3[%add3A_123, %dma_start3A_125] : memref<8192x2048xf32, #tpu.memory_space<hbm>> -> memref<16x2048xf32, #tpu.memory_space<hbm>>
    %dma_start3A_127 = arith.constant 0 : i32
    %dma_start3A_128 = arith.constant 0 : i32
    %dma_start3A_129 = tpu.memref_slice %arg4[%dma_start3A_124, %arg1, %dma_start3A_127, %dma_start3A_128] : memref<2x16x16x2048xf32, #tpu.memory_space<vmem_shared>> -> memref<1x1x16x2048xf32, #tpu.memory_space<vmem_shared>>
    %dma_start3A_130 = tpu.memref_squeeze %dma_start3A_129 : memref<1x1x16x2048xf32, #tpu.memory_space<vmem_shared>> -> memref<16x2048xf32, #tpu.memory_space<vmem_shared>>
    tpu.enqueue_dma source(%dma_start3A_130 : memref<16x2048xf32, #tpu.memory_space<vmem_shared>>) target(%dma_start3A_126 : memref<16x2048xf32, #tpu.memory_space<hbm>>) target_semaphore(%arg8 : memref<!tpu.dma_semaphore, #tpu.memory_space<semaphore_mem>>)
    %dma_wait3A_131 = arith.constant 1 : i32
    %dma_wait3A_132 = arith.constant 0 : i32
    %dma_wait3A_133 = tpu.memref_slice %arg3[%add3A_123, %dma_wait3A_132] : memref<8192x2048xf32, #tpu.memory_space<hbm>> -> memref<16x2048xf32, #tpu.memory_space<hbm>>
    %dma_wait3A_134 = arith.constant 0 : i32
    %dma_wait3A_135 = arith.constant 0 : i32
    %dma_wait3A_136 = tpu.memref_slice %arg4[%dma_wait3A_131, %arg1, %dma_wait3A_134, %dma_wait3A_135] : memref<2x16x16x2048xf32, #tpu.memory_space<vmem_shared>> -> memref<1x1x16x2048xf32, #tpu.memory_space<vmem_shared>>
    %dma_wait3A_137 = tpu.memref_squeeze %dma_wait3A_136 : memref<1x1x16x2048xf32, #tpu.memory_space<vmem_shared>> -> memref<16x2048xf32, #tpu.memory_space<vmem_shared>>
    tpu.wait_dma2 semaphore(%arg8 : memref<!tpu.dma_semaphore, #tpu.memory_space<semaphore_mem>>) src(%dma_wait3A_137 : memref<16x2048xf32, #tpu.memory_space<vmem_shared>>) dst(%dma_wait3A_133 : memref<16x2048xf32, #tpu.memory_space<hbm>>)
    %add3A_138 = arith.constant 80 : i32
    %add3A_139 = arith.addi %mul3A_2, %add3A_138 : i32
    %dma_start3A_140 = arith.constant 1 : i32
    %dma_start3A_141 = arith.constant 0 : i32
    %dma_start3A_142 = arith.constant 0 : i32
    %dma_start3A_143 = tpu.memref_slice %arg4[%dma_start3A_140, %arg1, %dma_start3A_141, %dma_start3A_142] : memref<2x16x16x2048xf32, #tpu.memory_space<vmem_shared>> -> memref<1x1x16x2048xf32, #tpu.memory_space<vmem_shared>>
    %dma_start3A_144 = tpu.memref_squeeze %dma_start3A_143 : memref<1x1x16x2048xf32, #tpu.memory_space<vmem_shared>> -> memref<16x2048xf32, #tpu.memory_space<vmem_shared>>
    %dma_start3A_145 = arith.constant 0 : i32
    %dma_start3A_146 = tpu.memref_slice %arg2[%add3A_139, %dma_start3A_145] : memref<8192x2048xf32, #tpu.memory_space<hbm>> -> memref<16x2048xf32, #tpu.memory_space<hbm>>
    tpu.enqueue_dma source(%dma_start3A_146 : memref<16x2048xf32, #tpu.memory_space<hbm>>) target(%dma_start3A_144 : memref<16x2048xf32, #tpu.memory_space<vmem_shared>>) target_semaphore(%arg6 : memref<!tpu.dma_semaphore, #tpu.memory_space<semaphore_mem>>)
    %dma_wait3A_147 = arith.constant 0 : i32
    %dma_wait3A_148 = arith.constant 0 : i32
    %dma_wait3A_149 = arith.constant 0 : i32
    %dma_wait3A_150 = tpu.memref_slice %arg4[%dma_wait3A_147, %arg1, %dma_wait3A_148, %dma_wait3A_149] : memref<2x16x16x2048xf32, #tpu.memory_space<vmem_shared>> -> memref<1x1x16x2048xf32, #tpu.memory_space<vmem_shared>>
    %dma_wait3A_151 = tpu.memref_squeeze %dma_wait3A_150 : memref<1x1x16x2048xf32, #tpu.memory_space<vmem_shared>> -> memref<16x2048xf32, #tpu.memory_space<vmem_shared>>
    %dma_wait3A_152 = arith.constant 0 : i32
    %dma_wait3A_153 = tpu.memref_slice %arg2[%add3A_107, %dma_wait3A_152] : memref<8192x2048xf32, #tpu.memory_space<hbm>> -> memref<16x2048xf32, #tpu.memory_space<hbm>>
    tpu.wait_dma2 semaphore(%arg5 : memref<!tpu.dma_semaphore, #tpu.memory_space<semaphore_mem>>) src(%dma_wait3A_153 : memref<16x2048xf32, #tpu.memory_space<hbm>>) dst(%dma_wait3A_151 : memref<16x2048xf32, #tpu.memory_space<vmem_shared>>)
    %add3A_154 = arith.constant 64 : i32
    %add3A_155 = arith.addi %mul3A_2, %add3A_154 : i32
    %dma_start3A_156 = arith.constant 0 : i32
    %dma_start3A_157 = arith.constant 0 : i32
    %dma_start3A_158 = tpu.memref_slice %arg3[%add3A_155, %dma_start3A_157] : memref<8192x2048xf32, #tpu.memory_space<hbm>> -> memref<16x2048xf32, #tpu.memory_space<hbm>>
    %dma_start3A_159 = arith.constant 0 : i32
    %dma_start3A_160 = arith.constant 0 : i32
    %dma_start3A_161 = tpu.memref_slice %arg4[%dma_start3A_156, %arg1, %dma_start3A_159, %dma_start3A_160] : memref<2x16x16x2048xf32, #tpu.memory_space<vmem_shared>> -> memref<1x1x16x2048xf32, #tpu.memory_space<vmem_shared>>
    %dma_start3A_162 = tpu.memref_squeeze %dma_start3A_161 : memref<1x1x16x2048xf32, #tpu.memory_space<vmem_shared>> -> memref<16x2048xf32, #tpu.memory_space<vmem_shared>>
    tpu.enqueue_dma source(%dma_start3A_162 : memref<16x2048xf32, #tpu.memory_space<vmem_shared>>) target(%dma_start3A_158 : memref<16x2048xf32, #tpu.memory_space<hbm>>) target_semaphore(%arg7 : memref<!tpu.dma_semaphore, #tpu.memory_space<semaphore_mem>>)
    %dma_wait3A_163 = arith.constant 0 : i32
    %dma_wait3A_164 = arith.constant 0 : i32
    %dma_wait3A_165 = tpu.memref_slice %arg3[%add3A_155, %dma_wait3A_164] : memref<8192x2048xf32, #tpu.memory_space<hbm>> -> memref<16x2048xf32, #tpu.memory_space<hbm>>
    %dma_wait3A_166 = arith.constant 0 : i32
    %dma_wait3A_167 = arith.constant 0 : i32
    %dma_wait3A_168 = tpu.memref_slice %arg4[%dma_wait3A_163, %arg1, %dma_wait3A_166, %dma_wait3A_167] : memref<2x16x16x2048xf32, #tpu.memory_space<vmem_shared>> -> memref<1x1x16x2048xf32, #tpu.memory_space<vmem_shared>>
    %dma_wait3A_169 = tpu.memref_squeeze %dma_wait3A_168 : memref<1x1x16x2048xf32, #tpu.memory_space<vmem_shared>> -> memref<16x2048xf32, #tpu.memory_space<vmem_shared>>
    tpu.wait_dma2 semaphore(%arg7 : memref<!tpu.dma_semaphore, #tpu.memory_space<semaphore_mem>>) src(%dma_wait3A_169 : memref<16x2048xf32, #tpu.memory_space<vmem_shared>>) dst(%dma_wait3A_165 : memref<16x2048xf32, #tpu.memory_space<hbm>>)
    %add3A_170 = arith.constant 96 : i32
    %add3A_171 = arith.addi %mul3A_2, %add3A_170 : i32
    %dma_start3A_172 = arith.constant 0 : i32
    %dma_start3A_173 = arith.constant 0 : i32
    %dma_start3A_174 = arith.constant 0 : i32
    %dma_start3A_175 = tpu.memref_slice %arg4[%dma_start3A_172, %arg1, %dma_start3A_173, %dma_start3A_174] : memref<2x16x16x2048xf32, #tpu.memory_space<vmem_shared>> -> memref<1x1x16x2048xf32, #tpu.memory_space<vmem_shared>>
    %dma_start3A_176 = tpu.memref_squeeze %dma_start3A_175 : memref<1x1x16x2048xf32, #tpu.memory_space<vmem_shared>> -> memref<16x2048xf32, #tpu.memory_space<vmem_shared>>
    %dma_start3A_177 = arith.constant 0 : i32
    %dma_start3A_178 = tpu.memref_slice %arg2[%add3A_171, %dma_start3A_177] : memref<8192x2048xf32, #tpu.memory_space<hbm>> -> memref<16x2048xf32, #tpu.memory_space<hbm>>
    tpu.enqueue_dma source(%dma_start3A_178 : memref<16x2048xf32, #tpu.memory_space<hbm>>) target(%dma_start3A_176 : memref<16x2048xf32, #tpu.memory_space<vmem_shared>>) target_semaphore(%arg5 : memref<!tpu.dma_semaphore, #tpu.memory_space<semaphore_mem>>)
    %dma_wait3A_179 = arith.constant 1 : i32
    %dma_wait3A_180 = arith.constant 0 : i32
    %dma_wait3A_181 = arith.constant 0 : i32
    %dma_wait3A_182 = tpu.memref_slice %arg4[%dma_wait3A_179, %arg1, %dma_wait3A_180, %dma_wait3A_181] : memref<2x16x16x2048xf32, #tpu.memory_space<vmem_shared>> -> memref<1x1x16x2048xf32, #tpu.memory_space<vmem_shared>>
    %dma_wait3A_183 = tpu.memref_squeeze %dma_wait3A_182 : memref<1x1x16x2048xf32, #tpu.memory_space<vmem_shared>> -> memref<16x2048xf32, #tpu.memory_space<vmem_shared>>
    %dma_wait3A_184 = arith.constant 0 : i32
    %dma_wait3A_185 = tpu.memref_slice %arg2[%add3A_139, %dma_wait3A_184] : memref<8192x2048xf32, #tpu.memory_space<hbm>> -> memref<16x2048xf32, #tpu.memory_space<hbm>>
    tpu.wait_dma2 semaphore(%arg6 : memref<!tpu.dma_semaphore, #tpu.memory_space<semaphore_mem>>) src(%dma_wait3A_185 : memref<16x2048xf32, #tpu.memory_space<hbm>>) dst(%dma_wait3A_183 : memref<16x2048xf32, #tpu.memory_space<vmem_shared>>)
    %add3A_186 = arith.constant 80 : i32
    %add3A_187 = arith.addi %mul3A_2, %add3A_186 : i32
    %dma_start3A_188 = arith.constant 1 : i32
    %dma_start3A_189 = arith.constant 0 : i32
    %dma_start3A_190 = tpu.memref_slice %arg3[%add3A_187, %dma_start3A_189] : memref<8192x2048xf32, #tpu.memory_space<hbm>> -> memref<16x2048xf32, #tpu.memory_space<hbm>>
    %dma_start3A_191 = arith.constant 0 : i32
    %dma_start3A_192 = arith.constant 0 : i32
    %dma_start3A_193 = tpu.memref_slice %arg4[%dma_start3A_188, %arg1, %dma_start3A_191, %dma_start3A_192] : memref<2x16x16x2048xf32, #tpu.memory_space<vmem_shared>> -> memref<1x1x16x2048xf32, #tpu.memory_space<vmem_shared>>
    %dma_start3A_194 = tpu.memref_squeeze %dma_start3A_193 : memref<1x1x16x2048xf32, #tpu.memory_space<vmem_shared>> -> memref<16x2048xf32, #tpu.memory_space<vmem_shared>>
    tpu.enqueue_dma source(%dma_start3A_194 : memref<16x2048xf32, #tpu.memory_space<vmem_shared>>) target(%dma_start3A_190 : memref<16x2048xf32, #tpu.memory_space<hbm>>) target_semaphore(%arg8 : memref<!tpu.dma_semaphore, #tpu.memory_space<semaphore_mem>>)
    %dma_wait3A_195 = arith.constant 1 : i32
    %dma_wait3A_196 = arith.constant 0 : i32
    %dma_wait3A_197 = tpu.memref_slice %arg3[%add3A_187, %dma_wait3A_196] : memref<8192x2048xf32, #tpu.memory_space<hbm>> -> memref<16x2048xf32, #tpu.memory_space<hbm>>
    %dma_wait3A_198 = arith.constant 0 : i32
    %dma_wait3A_199 = arith.constant 0 : i32
    %dma_wait3A_200 = tpu.memref_slice %arg4[%dma_wait3A_195, %arg1, %dma_wait3A_198, %dma_wait3A_199] : memref<2x16x16x2048xf32, #tpu.memory_space<vmem_shared>> -> memref<1x1x16x2048xf32, #tpu.memory_space<vmem_shared>>
    %dma_wait3A_201 = tpu.memref_squeeze %dma_wait3A_200 : memref<1x1x16x2048xf32, #tpu.memory_space<vmem_shared>> -> memref<16x2048xf32, #tpu.memory_space<vmem_shared>>
    tpu.wait_dma2 semaphore(%arg8 : memref<!tpu.dma_semaphore, #tpu.memory_space<semaphore_mem>>) src(%dma_wait3A_201 : memref<16x2048xf32, #tpu.memory_space<vmem_shared>>) dst(%dma_wait3A_197 : memref<16x2048xf32, #tpu.memory_space<hbm>>)
    %add3A_202 = arith.constant 112 : i32
    %add3A_203 = arith.addi %mul3A_2, %add3A_202 : i32
    %dma_start3A_204 = arith.constant 1 : i32
    %dma_start3A_205 = arith.constant 0 : i32
    %dma_start3A_206 = arith.constant 0 : i32
    %dma_start3A_207 = tpu.memref_slice %arg4[%dma_start3A_204, %arg1, %dma_start3A_205, %dma_start3A_206] : memref<2x16x16x2048xf32, #tpu.memory_space<vmem_shared>> -> memref<1x1x16x2048xf32, #tpu.memory_space<vmem_shared>>
    %dma_start3A_208 = tpu.memref_squeeze %dma_start3A_207 : memref<1x1x16x2048xf32, #tpu.memory_space<vmem_shared>> -> memref<16x2048xf32, #tpu.memory_space<vmem_shared>>
    %dma_start3A_209 = arith.constant 0 : i32
    %dma_start3A_210 = tpu.memref_slice %arg2[%add3A_203, %dma_start3A_209] : memref<8192x2048xf32, #tpu.memory_space<hbm>> -> memref<16x2048xf32, #tpu.memory_space<hbm>>
    tpu.enqueue_dma source(%dma_start3A_210 : memref<16x2048xf32, #tpu.memory_space<hbm>>) target(%dma_start3A_208 : memref<16x2048xf32, #tpu.memory_space<vmem_shared>>) target_semaphore(%arg6 : memref<!tpu.dma_semaphore, #tpu.memory_space<semaphore_mem>>)
    %dma_wait3A_211 = arith.constant 0 : i32
    %dma_wait3A_212 = arith.constant 0 : i32
    %dma_wait3A_213 = arith.constant 0 : i32
    %dma_wait3A_214 = tpu.memref_slice %arg4[%dma_wait3A_211, %arg1, %dma_wait3A_212, %dma_wait3A_213] : memref<2x16x16x2048xf32, #tpu.memory_space<vmem_shared>> -> memref<1x1x16x2048xf32, #tpu.memory_space<vmem_shared>>
    %dma_wait3A_215 = tpu.memref_squeeze %dma_wait3A_214 : memref<1x1x16x2048xf32, #tpu.memory_space<vmem_shared>> -> memref<16x2048xf32, #tpu.memory_space<vmem_shared>>
    %dma_wait3A_216 = arith.constant 0 : i32
    %dma_wait3A_217 = tpu.memref_slice %arg2[%add3A_171, %dma_wait3A_216] : memref<8192x2048xf32, #tpu.memory_space<hbm>> -> memref<16x2048xf32, #tpu.memory_space<hbm>>
    tpu.wait_dma2 semaphore(%arg5 : memref<!tpu.dma_semaphore, #tpu.memory_space<semaphore_mem>>) src(%dma_wait3A_217 : memref<16x2048xf32, #tpu.memory_space<hbm>>) dst(%dma_wait3A_215 : memref<16x2048xf32, #tpu.memory_space<vmem_shared>>)
    %add3A_218 = arith.constant 96 : i32
    %add3A_219 = arith.addi %mul3A_2, %add3A_218 : i32
    %dma_start3A_220 = arith.constant 0 : i32
    %dma_start3A_221 = arith.constant 0 : i32
    %dma_start3A_222 = tpu.memref_slice %arg3[%add3A_219, %dma_start3A_221] : memref<8192x2048xf32, #tpu.memory_space<hbm>> -> memref<16x2048xf32, #tpu.memory_space<hbm>>
    %dma_start3A_223 = arith.constant 0 : i32
    %dma_start3A_224 = arith.constant 0 : i32
    %dma_start3A_225 = tpu.memref_slice %arg4[%dma_start3A_220, %arg1, %dma_start3A_223, %dma_start3A_224] : memref<2x16x16x2048xf32, #tpu.memory_space<vmem_shared>> -> memref<1x1x16x2048xf32, #tpu.memory_space<vmem_shared>>
    %dma_start3A_226 = tpu.memref_squeeze %dma_start3A_225 : memref<1x1x16x2048xf32, #tpu.memory_space<vmem_shared>> -> memref<16x2048xf32, #tpu.memory_space<vmem_shared>>
    tpu.enqueue_dma source(%dma_start3A_226 : memref<16x2048xf32, #tpu.memory_space<vmem_shared>>) target(%dma_start3A_222 : memref<16x2048xf32, #tpu.memory_space<hbm>>) target_semaphore(%arg7 : memref<!tpu.dma_semaphore, #tpu.memory_space<semaphore_mem>>)
    %dma_wait3A_227 = arith.constant 0 : i32
    %dma_wait3A_228 = arith.constant 0 : i32
    %dma_wait3A_229 = tpu.memref_slice %arg3[%add3A_219, %dma_wait3A_228] : memref<8192x2048xf32, #tpu.memory_space<hbm>> -> memref<16x2048xf32, #tpu.memory_space<hbm>>
    %dma_wait3A_230 = arith.constant 0 : i32
    %dma_wait3A_231 = arith.constant 0 : i32
    %dma_wait3A_232 = tpu.memref_slice %arg4[%dma_wait3A_227, %arg1, %dma_wait3A_230, %dma_wait3A_231] : memref<2x16x16x2048xf32, #tpu.memory_space<vmem_shared>> -> memref<1x1x16x2048xf32, #tpu.memory_space<vmem_shared>>
    %dma_wait3A_233 = tpu.memref_squeeze %dma_wait3A_232 : memref<1x1x16x2048xf32, #tpu.memory_space<vmem_shared>> -> memref<16x2048xf32, #tpu.memory_space<vmem_shared>>
    tpu.wait_dma2 semaphore(%arg7 : memref<!tpu.dma_semaphore, #tpu.memory_space<semaphore_mem>>) src(%dma_wait3A_233 : memref<16x2048xf32, #tpu.memory_space<vmem_shared>>) dst(%dma_wait3A_229 : memref<16x2048xf32, #tpu.memory_space<hbm>>)
    %add3A_234 = arith.constant 128 : i32
    %add3A_235 = arith.addi %mul3A_2, %add3A_234 : i32
    %dma_start3A_236 = arith.constant 0 : i32
    %dma_start3A_237 = arith.constant 0 : i32
    %dma_start3A_238 = arith.constant 0 : i32
    %dma_start3A_239 = tpu.memref_slice %arg4[%dma_start3A_236, %arg1, %dma_start3A_237, %dma_start3A_238] : memref<2x16x16x2048xf32, #tpu.memory_space<vmem_shared>> -> memref<1x1x16x2048xf32, #tpu.memory_space<vmem_shared>>
    %dma_start3A_240 = tpu.memref_squeeze %dma_start3A_239 : memref<1x1x16x2048xf32, #tpu.memory_space<vmem_shared>> -> memref<16x2048xf32, #tpu.memory_space<vmem_shared>>
    %dma_start3A_241 = arith.constant 0 : i32
    %dma_start3A_242 = tpu.memref_slice %arg2[%add3A_235, %dma_start3A_241] : memref<8192x2048xf32, #tpu.memory_space<hbm>> -> memref<16x2048xf32, #tpu.memory_space<hbm>>
    tpu.enqueue_dma source(%dma_start3A_242 : memref<16x2048xf32, #tpu.memory_space<hbm>>) target(%dma_start3A_240 : memref<16x2048xf32, #tpu.memory_space<vmem_shared>>) target_semaphore(%arg5 : memref<!tpu.dma_semaphore, #tpu.memory_space<semaphore_mem>>)
    %dma_wait3A_243 = arith.constant 1 : i32
    %dma_wait3A_244 = arith.constant 0 : i32
    %dma_wait3A_245 = arith.constant 0 : i32
    %dma_wait3A_246 = tpu.memref_slice %arg4[%dma_wait3A_243, %arg1, %dma_wait3A_244, %dma_wait3A_245] : memref<2x16x16x2048xf32, #tpu.memory_space<vmem_shared>> -> memref<1x1x16x2048xf32, #tpu.memory_space<vmem_shared>>
    %dma_wait3A_247 = tpu.memref_squeeze %dma_wait3A_246 : memref<1x1x16x2048xf32, #tpu.memory_space<vmem_shared>> -> memref<16x2048xf32, #tpu.memory_space<vmem_shared>>
    %dma_wait3A_248 = arith.constant 0 : i32
    %dma_wait3A_249 = tpu.memref_slice %arg2[%add3A_203, %dma_wait3A_248] : memref<8192x2048xf32, #tpu.memory_space<hbm>> -> memref<16x2048xf32, #tpu.memory_space<hbm>>
    tpu.wait_dma2 semaphore(%arg6 : memref<!tpu.dma_semaphore, #tpu.memory_space<semaphore_mem>>) src(%dma_wait3A_249 : memref<16x2048xf32, #tpu.memory_space<hbm>>) dst(%dma_wait3A_247 : memref<16x2048xf32, #tpu.memory_space<vmem_shared>>)
    %add3A_250 = arith.constant 112 : i32
    %add3A_251 = arith.addi %mul3A_2, %add3A_250 : i32
    %dma_start3A_252 = arith.constant 1 : i32
    %dma_start3A_253 = arith.constant 0 : i32
    %dma_start3A_254 = tpu.memref_slice %arg3[%add3A_251, %dma_start3A_253] : memref<8192x2048xf32, #tpu.memory_space<hbm>> -> memref<16x2048xf32, #tpu.memory_space<hbm>>
    %dma_start3A_255 = arith.constant 0 : i32
    %dma_start3A_256 = arith.constant 0 : i32
    %dma_start3A_257 = tpu.memref_slice %arg4[%dma_start3A_252, %arg1, %dma_start3A_255, %dma_start3A_256] : memref<2x16x16x2048xf32, #tpu.memory_space<vmem_shared>> -> memref<1x1x16x2048xf32, #tpu.memory_space<vmem_shared>>
    %dma_start3A_258 = tpu.memref_squeeze %dma_start3A_257 : memref<1x1x16x2048xf32, #tpu.memory_space<vmem_shared>> -> memref<16x2048xf32, #tpu.memory_space<vmem_shared>>
    tpu.enqueue_dma source(%dma_start3A_258 : memref<16x2048xf32, #tpu.memory_space<vmem_shared>>) target(%dma_start3A_254 : memref<16x2048xf32, #tpu.memory_space<hbm>>) target_semaphore(%arg8 : memref<!tpu.dma_semaphore, #tpu.memory_space<semaphore_mem>>)
    %dma_wait3A_259 = arith.constant 1 : i32
    %dma_wait3A_260 = arith.constant 0 : i32
    %dma_wait3A_261 = tpu.memref_slice %arg3[%add3A_251, %dma_wait3A_260] : memref<8192x2048xf32, #tpu.memory_space<hbm>> -> memref<16x2048xf32, #tpu.memory_space<hbm>>
    %dma_wait3A_262 = arith.constant 0 : i32
    %dma_wait3A_263 = arith.constant 0 : i32
    %dma_wait3A_264 = tpu.memref_slice %arg4[%dma_wait3A_259, %arg1, %dma_wait3A_262, %dma_wait3A_263] : memref<2x16x16x2048xf32, #tpu.memory_space<vmem_shared>> -> memref<1x1x16x2048xf32, #tpu.memory_space<vmem_shared>>
    %dma_wait3A_265 = tpu.memref_squeeze %dma_wait3A_264 : memref<1x1x16x2048xf32, #tpu.memory_space<vmem_shared>> -> memref<16x2048xf32, #tpu.memory_space<vmem_shared>>
    tpu.wait_dma2 semaphore(%arg8 : memref<!tpu.dma_semaphore, #tpu.memory_space<semaphore_mem>>) src(%dma_wait3A_265 : memref<16x2048xf32, #tpu.memory_space<vmem_shared>>) dst(%dma_wait3A_261 : memref<16x2048xf32, #tpu.memory_space<hbm>>)
    %add3A_266 = arith.constant 144 : i32
    %add3A_267 = arith.addi %mul3A_2, %add3A_266 : i32
    %dma_start3A_268 = arith.constant 1 : i32
    %dma_start3A_269 = arith.constant 0 : i32
    %dma_start3A_270 = arith.constant 0 : i32
    %dma_start3A_271 = tpu.memref_slice %arg4[%dma_start3A_268, %arg1, %dma_start3A_269, %dma_start3A_270] : memref<2x16x16x2048xf32, #tpu.memory_space<vmem_shared>> -> memref<1x1x16x2048xf32, #tpu.memory_space<vmem_shared>>
    %dma_start3A_272 = tpu.memref_squeeze %dma_start3A_271 : memref<1x1x16x2048xf32, #tpu.memory_space<vmem_shared>> -> memref<16x2048xf32, #tpu.memory_space<vmem_shared>>
    %dma_start3A_273 = arith.constant 0 : i32
    %dma_start3A_274 = tpu.memref_slice %arg2[%add3A_267, %dma_start3A_273] : memref<8192x2048xf32, #tpu.memory_space<hbm>> -> memref<16x2048xf32, #tpu.memory_space<hbm>>
    tpu.enqueue_dma source(%dma_start3A_274 : memref<16x2048xf32, #tpu.memory_space<hbm>>) target(%dma_start3A_272 : memref<16x2048xf32, #tpu.memory_space<vmem_shared>>) target_semaphore(%arg6 : memref<!tpu.dma_semaphore, #tpu.memory_space<semaphore_mem>>)
    %dma_wait3A_275 = arith.constant 0 : i32
    %dma_wait3A_276 = arith.constant 0 : i32
    %dma_wait3A_277 = arith.constant 0 : i32
    %dma_wait3A_278 = tpu.memref_slice %arg4[%dma_wait3A_275, %arg1, %dma_wait3A_276, %dma_wait3A_277] : memref<2x16x16x2048xf32, #tpu.memory_space<vmem_shared>> -> memref<1x1x16x2048xf32, #tpu.memory_space<vmem_shared>>
    %dma_wait3A_279 = tpu.memref_squeeze %dma_wait3A_278 : memref<1x1x16x2048xf32, #tpu.memory_space<vmem_shared>> -> memref<16x2048xf32, #tpu.memory_space<vmem_shared>>
    %dma_wait3A_280 = arith.constant 0 : i32
    %dma_wait3A_281 = tpu.memref_slice %arg2[%add3A_235, %dma_wait3A_280] : memref<8192x2048xf32, #tpu.memory_space<hbm>> -> memref<16x2048xf32, #tpu.memory_space<hbm>>
    tpu.wait_dma2 semaphore(%arg5 : memref<!tpu.dma_semaphore, #tpu.memory_space<semaphore_mem>>) src(%dma_wait3A_281 : memref<16x2048xf32, #tpu.memory_space<hbm>>) dst(%dma_wait3A_279 : memref<16x2048xf32, #tpu.memory_space<vmem_shared>>)
    %add3A_282 = arith.constant 128 : i32
    %add3A_283 = arith.addi %mul3A_2, %add3A_282 : i32
    %dma_start3A_284 = arith.constant 0 : i32
    %dma_start3A_285 = arith.constant 0 : i32
    %dma_start3A_286 = tpu.memref_slice %arg3[%add3A_283, %dma_start3A_285] : memref<8192x2048xf32, #tpu.memory_space<hbm>> -> memref<16x2048xf32, #tpu.memory_space<hbm>>
    %dma_start3A_287 = arith.constant 0 : i32
    %dma_start3A_288 = arith.constant 0 : i32
    %dma_start3A_289 = tpu.memref_slice %arg4[%dma_start3A_284, %arg1, %dma_start3A_287, %dma_start3A_288] : memref<2x16x16x2048xf32, #tpu.memory_space<vmem_shared>> -> memref<1x1x16x2048xf32, #tpu.memory_space<vmem_shared>>
    %dma_start3A_290 = tpu.memref_squeeze %dma_start3A_289 : memref<1x1x16x2048xf32, #tpu.memory_space<vmem_shared>> -> memref<16x2048xf32, #tpu.memory_space<vmem_shared>>
    tpu.enqueue_dma source(%dma_start3A_290 : memref<16x2048xf32, #tpu.memory_space<vmem_shared>>) target(%dma_start3A_286 : memref<16x2048xf32, #tpu.memory_space<hbm>>) target_semaphore(%arg7 : memref<!tpu.dma_semaphore, #tpu.memory_space<semaphore_mem>>)
    %dma_wait3A_291 = arith.constant 0 : i32
    %dma_wait3A_292 = arith.constant 0 : i32
    %dma_wait3A_293 = tpu.memref_slice %arg3[%add3A_283, %dma_wait3A_292] : memref<8192x2048xf32, #tpu.memory_space<hbm>> -> memref<16x2048xf32, #tpu.memory_space<hbm>>
    %dma_wait3A_294 = arith.constant 0 : i32
    %dma_wait3A_295 = arith.constant 0 : i32
    %dma_wait3A_296 = tpu.memref_slice %arg4[%dma_wait3A_291, %arg1, %dma_wait3A_294, %dma_wait3A_295] : memref<2x16x16x2048xf32, #tpu.memory_space<vmem_shared>> -> memref<1x1x16x2048xf32, #tpu.memory_space<vmem_shared>>
    %dma_wait3A_297 = tpu.memref_squeeze %dma_wait3A_296 : memref<1x1x16x2048xf32, #tpu.memory_space<vmem_shared>> -> memref<16x2048xf32, #tpu.memory_space<vmem_shared>>
    tpu.wait_dma2 semaphore(%arg7 : memref<!tpu.dma_semaphore, #tpu.memory_space<semaphore_mem>>) src(%dma_wait3A_297 : memref<16x2048xf32, #tpu.memory_space<vmem_shared>>) dst(%dma_wait3A_293 : memref<16x2048xf32, #tpu.memory_space<hbm>>)
    %add3A_298 = arith.constant 160 : i32
    %add3A_299 = arith.addi %mul3A_2, %add3A_298 : i32
    %dma_start3A_300 = arith.constant 0 : i32
    %dma_start3A_301 = arith.constant 0 : i32
    %dma_start3A_302 = arith.constant 0 : i32
    %dma_start3A_303 = tpu.memref_slice %arg4[%dma_start3A_300, %arg1, %dma_start3A_301, %dma_start3A_302] : memref<2x16x16x2048xf32, #tpu.memory_space<vmem_shared>> -> memref<1x1x16x2048xf32, #tpu.memory_space<vmem_shared>>
    %dma_start3A_304 = tpu.memref_squeeze %dma_start3A_303 : memref<1x1x16x2048xf32, #tpu.memory_space<vmem_shared>> -> memref<16x2048xf32, #tpu.memory_space<vmem_shared>>
    %dma_start3A_305 = arith.constant 0 : i32
    %dma_start3A_306 = tpu.memref_slice %arg2[%add3A_299, %dma_start3A_305] : memref<8192x2048xf32, #tpu.memory_space<hbm>> -> memref<16x2048xf32, #tpu.memory_space<hbm>>
    tpu.enqueue_dma source(%dma_start3A_306 : memref<16x2048xf32, #tpu.memory_space<hbm>>) target(%dma_start3A_304 : memref<16x2048xf32, #tpu.memory_space<vmem_shared>>) target_semaphore(%arg5 : memref<!tpu.dma_semaphore, #tpu.memory_space<semaphore_mem>>)
    %dma_wait3A_307 = arith.constant 1 : i32
    %dma_wait3A_308 = arith.constant 0 : i32
    %dma_wait3A_309 = arith.constant 0 : i32
    %dma_wait3A_310 = tpu.memref_slice %arg4[%dma_wait3A_307, %arg1, %dma_wait3A_308, %dma_wait3A_309] : memref<2x16x16x2048xf32, #tpu.memory_space<vmem_shared>> -> memref<1x1x16x2048xf32, #tpu.memory_space<vmem_shared>>
    %dma_wait3A_311 = tpu.memref_squeeze %dma_wait3A_310 : memref<1x1x16x2048xf32, #tpu.memory_space<vmem_shared>> -> memref<16x2048xf32, #tpu.memory_space<vmem_shared>>
    %dma_wait3A_312 = arith.constant 0 : i32
    %dma_wait3A_313 = tpu.memref_slice %arg2[%add3A_267, %dma_wait3A_312] : memref<8192x2048xf32, #tpu.memory_space<hbm>> -> memref<16x2048xf32, #tpu.memory_space<hbm>>
    tpu.wait_dma2 semaphore(%arg6 : memref<!tpu.dma_semaphore, #tpu.memory_space<semaphore_mem>>) src(%dma_wait3A_313 : memref<16x2048xf32, #tpu.memory_space<hbm>>) dst(%dma_wait3A_311 : memref<16x2048xf32, #tpu.memory_space<vmem_shared>>)
    %add3A_314 = arith.constant 144 : i32
    %add3A_315 = arith.addi %mul3A_2, %add3A_314 : i32
    %dma_start3A_316 = arith.constant 1 : i32
    %dma_start3A_317 = arith.constant 0 : i32
    %dma_start3A_318 = tpu.memref_slice %arg3[%add3A_315, %dma_start3A_317] : memref<8192x2048xf32, #tpu.memory_space<hbm>> -> memref<16x2048xf32, #tpu.memory_space<hbm>>
    %dma_start3A_319 = arith.constant 0 : i32
    %dma_start3A_320 = arith.constant 0 : i32
    %dma_start3A_321 = tpu.memref_slice %arg4[%dma_start3A_316, %arg1, %dma_start3A_319, %dma_start3A_320] : memref<2x16x16x2048xf32, #tpu.memory_space<vmem_shared>> -> memref<1x1x16x2048xf32, #tpu.memory_space<vmem_shared>>
    %dma_start3A_322 = tpu.memref_squeeze %dma_start3A_321 : memref<1x1x16x2048xf32, #tpu.memory_space<vmem_shared>> -> memref<16x2048xf32, #tpu.memory_space<vmem_shared>>
    tpu.enqueue_dma source(%dma_start3A_322 : memref<16x2048xf32, #tpu.memory_space<vmem_shared>>) target(%dma_start3A_318 : memref<16x2048xf32, #tpu.memory_space<hbm>>) target_semaphore(%arg8 : memref<!tpu.dma_semaphore, #tpu.memory_space<semaphore_mem>>)
    %dma_wait3A_323 = arith.constant 1 : i32
    %dma_wait3A_324 = arith.constant 0 : i32
    %dma_wait3A_325 = tpu.memref_slice %arg3[%add3A_315, %dma_wait3A_324] : memref<8192x2048xf32, #tpu.memory_space<hbm>> -> memref<16x2048xf32, #tpu.memory_space<hbm>>
    %dma_wait3A_326 = arith.constant 0 : i32
    %dma_wait3A_327 = arith.constant 0 : i32
    %dma_wait3A_328 = tpu.memref_slice %arg4[%dma_wait3A_323, %arg1, %dma_wait3A_326, %dma_wait3A_327] : memref<2x16x16x2048xf32, #tpu.memory_space<vmem_shared>> -> memref<1x1x16x2048xf32, #tpu.memory_space<vmem_shared>>
    %dma_wait3A_329 = tpu.memref_squeeze %dma_wait3A_328 : memref<1x1x16x2048xf32, #tpu.memory_space<vmem_shared>> -> memref<16x2048xf32, #tpu.memory_space<vmem_shared>>
    tpu.wait_dma2 semaphore(%arg8 : memref<!tpu.dma_semaphore, #tpu.memory_space<semaphore_mem>>) src(%dma_wait3A_329 : memref<16x2048xf32, #tpu.memory_space<vmem_shared>>) dst(%dma_wait3A_325 : memref<16x2048xf32, #tpu.memory_space<hbm>>)
    %add3A_330 = arith.constant 176 : i32
    %add3A_331 = arith.addi %mul3A_2, %add3A_330 : i32
    %dma_start3A_332 = arith.constant 1 : i32
    %dma_start3A_333 = arith.constant 0 : i32
    %dma_start3A_334 = arith.constant 0 : i32
    %dma_start3A_335 = tpu.memref_slice %arg4[%dma_start3A_332, %arg1, %dma_start3A_333, %dma_start3A_334] : memref<2x16x16x2048xf32, #tpu.memory_space<vmem_shared>> -> memref<1x1x16x2048xf32, #tpu.memory_space<vmem_shared>>
    %dma_start3A_336 = tpu.memref_squeeze %dma_start3A_335 : memref<1x1x16x2048xf32, #tpu.memory_space<vmem_shared>> -> memref<16x2048xf32, #tpu.memory_space<vmem_shared>>
    %dma_start3A_337 = arith.constant 0 : i32
    %dma_start3A_338 = tpu.memref_slice %arg2[%add3A_331, %dma_start3A_337] : memref<8192x2048xf32, #tpu.memory_space<hbm>> -> memref<16x2048xf32, #tpu.memory_space<hbm>>
    tpu.enqueue_dma source(%dma_start3A_338 : memref<16x2048xf32, #tpu.memory_space<hbm>>) target(%dma_start3A_336 : memref<16x2048xf32, #tpu.memory_space<vmem_shared>>) target_semaphore(%arg6 : memref<!tpu.dma_semaphore, #tpu.memory_space<semaphore_mem>>)
    %dma_wait3A_339 = arith.constant 0 : i32
    %dma_wait3A_340 = arith.constant 0 : i32
    %dma_wait3A_341 = arith.constant 0 : i32
    %dma_wait3A_342 = tpu.memref_slice %arg4[%dma_wait3A_339, %arg1, %dma_wait3A_340, %dma_wait3A_341] : memref<2x16x16x2048xf32, #tpu.memory_space<vmem_shared>> -> memref<1x1x16x2048xf32, #tpu.memory_space<vmem_shared>>
    %dma_wait3A_343 = tpu.memref_squeeze %dma_wait3A_342 : memref<1x1x16x2048xf32, #tpu.memory_space<vmem_shared>> -> memref<16x2048xf32, #tpu.memory_space<vmem_shared>>
    %dma_wait3A_344 = arith.constant 0 : i32
    %dma_wait3A_345 = tpu.memref_slice %arg2[%add3A_299, %dma_wait3A_344] : memref<8192x2048xf32, #tpu.memory_space<hbm>> -> memref<16x2048xf32, #tpu.memory_space<hbm>>
    tpu.wait_dma2 semaphore(%arg5 : memref<!tpu.dma_semaphore, #tpu.memory_space<semaphore_mem>>) src(%dma_wait3A_345 : memref<16x2048xf32, #tpu.memory_space<hbm>>) dst(%dma_wait3A_343 : memref<16x2048xf32, #tpu.memory_space<vmem_shared>>)
    %add3A_346 = arith.constant 160 : i32
    %add3A_347 = arith.addi %mul3A_2, %add3A_346 : i32
    %dma_start3A_348 = arith.constant 0 : i32
    %dma_start3A_349 = arith.constant 0 : i32
    %dma_start3A_350 = tpu.memref_slice %arg3[%add3A_347, %dma_start3A_349] : memref<8192x2048xf32, #tpu.memory_space<hbm>> -> memref<16x2048xf32, #tpu.memory_space<hbm>>
    %dma_start3A_351 = arith.constant 0 : i32
    %dma_start3A_352 = arith.constant 0 : i32
    %dma_start3A_353 = tpu.memref_slice %arg4[%dma_start3A_348, %arg1, %dma_start3A_351, %dma_start3A_352] : memref<2x16x16x2048xf32, #tpu.memory_space<vmem_shared>> -> memref<1x1x16x2048xf32, #tpu.memory_space<vmem_shared>>
    %dma_start3A_354 = tpu.memref_squeeze %dma_start3A_353 : memref<1x1x16x2048xf32, #tpu.memory_space<vmem_shared>> -> memref<16x2048xf32, #tpu.memory_space<vmem_shared>>
    tpu.enqueue_dma source(%dma_start3A_354 : memref<16x2048xf32, #tpu.memory_space<vmem_shared>>) target(%dma_start3A_350 : memref<16x2048xf32, #tpu.memory_space<hbm>>) target_semaphore(%arg7 : memref<!tpu.dma_semaphore, #tpu.memory_space<semaphore_mem>>)
    %dma_wait3A_355 = arith.constant 0 : i32
    %dma_wait3A_356 = arith.constant 0 : i32
    %dma_wait3A_357 = tpu.memref_slice %arg3[%add3A_347, %dma_wait3A_356] : memref<8192x2048xf32, #tpu.memory_space<hbm>> -> memref<16x2048xf32, #tpu.memory_space<hbm>>
    %dma_wait3A_358 = arith.constant 0 : i32
    %dma_wait3A_359 = arith.constant 0 : i32
    %dma_wait3A_360 = tpu.memref_slice %arg4[%dma_wait3A_355, %arg1, %dma_wait3A_358, %dma_wait3A_359] : memref<2x16x16x2048xf32, #tpu.memory_space<vmem_shared>> -> memref<1x1x16x2048xf32, #tpu.memory_space<vmem_shared>>
    %dma_wait3A_361 = tpu.memref_squeeze %dma_wait3A_360 : memref<1x1x16x2048xf32, #tpu.memory_space<vmem_shared>> -> memref<16x2048xf32, #tpu.memory_space<vmem_shared>>
    tpu.wait_dma2 semaphore(%arg7 : memref<!tpu.dma_semaphore, #tpu.memory_space<semaphore_mem>>) src(%dma_wait3A_361 : memref<16x2048xf32, #tpu.memory_space<vmem_shared>>) dst(%dma_wait3A_357 : memref<16x2048xf32, #tpu.memory_space<hbm>>)
    %add3A_362 = arith.constant 192 : i32
    %add3A_363 = arith.addi %mul3A_2, %add3A_362 : i32
    %dma_start3A_364 = arith.constant 0 : i32
    %dma_start3A_365 = arith.constant 0 : i32
    %dma_start3A_366 = arith.constant 0 : i32
    %dma_start3A_367 = tpu.memref_slice %arg4[%dma_start3A_364, %arg1, %dma_start3A_365, %dma_start3A_366] : memref<2x16x16x2048xf32, #tpu.memory_space<vmem_shared>> -> memref<1x1x16x2048xf32, #tpu.memory_space<vmem_shared>>
    %dma_start3A_368 = tpu.memref_squeeze %dma_start3A_367 : memref<1x1x16x2048xf32, #tpu.memory_space<vmem_shared>> -> memref<16x2048xf32, #tpu.memory_space<vmem_shared>>
    %dma_start3A_369 = arith.constant 0 : i32
    %dma_start3A_370 = tpu.memref_slice %arg2[%add3A_363, %dma_start3A_369] : memref<8192x2048xf32, #tpu.memory_space<hbm>> -> memref<16x2048xf32, #tpu.memory_space<hbm>>
    tpu.enqueue_dma source(%dma_start3A_370 : memref<16x2048xf32, #tpu.memory_space<hbm>>) target(%dma_start3A_368 : memref<16x2048xf32, #tpu.memory_space<vmem_shared>>) target_semaphore(%arg5 : memref<!tpu.dma_semaphore, #tpu.memory_space<semaphore_mem>>)
    %dma_wait3A_371 = arith.constant 1 : i32
    %dma_wait3A_372 = arith.constant 0 : i32
    %dma_wait3A_373 = arith.constant 0 : i32
    %dma_wait3A_374 = tpu.memref_slice %arg4[%dma_wait3A_371, %arg1, %dma_wait3A_372, %dma_wait3A_373] : memref<2x16x16x2048xf32, #tpu.memory_space<vmem_shared>> -> memref<1x1x16x2048xf32, #tpu.memory_space<vmem_shared>>
    %dma_wait3A_375 = tpu.memref_squeeze %dma_wait3A_374 : memref<1x1x16x2048xf32, #tpu.memory_space<vmem_shared>> -> memref<16x2048xf32, #tpu.memory_space<vmem_shared>>
    %dma_wait3A_376 = arith.constant 0 : i32
    %dma_wait3A_377 = tpu.memref_slice %arg2[%add3A_331, %dma_wait3A_376] : memref<8192x2048xf32, #tpu.memory_space<hbm>> -> memref<16x2048xf32, #tpu.memory_space<hbm>>
    tpu.wait_dma2 semaphore(%arg6 : memref<!tpu.dma_semaphore, #tpu.memory_space<semaphore_mem>>) src(%dma_wait3A_377 : memref<16x2048xf32, #tpu.memory_space<hbm>>) dst(%dma_wait3A_375 : memref<16x2048xf32, #tpu.memory_space<vmem_shared>>)
    %add3A_378 = arith.constant 176 : i32
    %add3A_379 = arith.addi %mul3A_2, %add3A_378 : i32
    %dma_start3A_380 = arith.constant 1 : i32
    %dma_start3A_381 = arith.constant 0 : i32
    %dma_start3A_382 = tpu.memref_slice %arg3[%add3A_379, %dma_start3A_381] : memref<8192x2048xf32, #tpu.memory_space<hbm>> -> memref<16x2048xf32, #tpu.memory_space<hbm>>
    %dma_start3A_383 = arith.constant 0 : i32
    %dma_start3A_384 = arith.constant 0 : i32
    %dma_start3A_385 = tpu.memref_slice %arg4[%dma_start3A_380, %arg1, %dma_start3A_383, %dma_start3A_384] : memref<2x16x16x2048xf32, #tpu.memory_space<vmem_shared>> -> memref<1x1x16x2048xf32, #tpu.memory_space<vmem_shared>>
    %dma_start3A_386 = tpu.memref_squeeze %dma_start3A_385 : memref<1x1x16x2048xf32, #tpu.memory_space<vmem_shared>> -> memref<16x2048xf32, #tpu.memory_space<vmem_shared>>
    tpu.enqueue_dma source(%dma_start3A_386 : memref<16x2048xf32, #tpu.memory_space<vmem_shared>>) target(%dma_start3A_382 : memref<16x2048xf32, #tpu.memory_space<hbm>>) target_semaphore(%arg8 : memref<!tpu.dma_semaphore, #tpu.memory_space<semaphore_mem>>)
    %dma_wait3A_387 = arith.constant 1 : i32
    %dma_wait3A_388 = arith.constant 0 : i32
    %dma_wait3A_389 = tpu.memref_slice %arg3[%add3A_379, %dma_wait3A_388] : memref<8192x2048xf32, #tpu.memory_space<hbm>> -> memref<16x2048xf32, #tpu.memory_space<hbm>>
    %dma_wait3A_390 = arith.constant 0 : i32
    %dma_wait3A_391 = arith.constant 0 : i32
    %dma_wait3A_392 = tpu.memref_slice %arg4[%dma_wait3A_387, %arg1, %dma_wait3A_390, %dma_wait3A_391] : memref<2x16x16x2048xf32, #tpu.memory_space<vmem_shared>> -> memref<1x1x16x2048xf32, #tpu.memory_space<vmem_shared>>
    %dma_wait3A_393 = tpu.memref_squeeze %dma_wait3A_392 : memref<1x1x16x2048xf32, #tpu.memory_space<vmem_shared>> -> memref<16x2048xf32, #tpu.memory_space<vmem_shared>>
    tpu.wait_dma2 semaphore(%arg8 : memref<!tpu.dma_semaphore, #tpu.memory_space<semaphore_mem>>) src(%dma_wait3A_393 : memref<16x2048xf32, #tpu.memory_space<vmem_shared>>) dst(%dma_wait3A_389 : memref<16x2048xf32, #tpu.memory_space<hbm>>)
    %add3A_394 = arith.constant 208 : i32
    %add3A_395 = arith.addi %mul3A_2, %add3A_394 : i32
    %dma_start3A_396 = arith.constant 1 : i32
    %dma_start3A_397 = arith.constant 0 : i32
    %dma_start3A_398 = arith.constant 0 : i32
    %dma_start3A_399 = tpu.memref_slice %arg4[%dma_start3A_396, %arg1, %dma_start3A_397, %dma_start3A_398] : memref<2x16x16x2048xf32, #tpu.memory_space<vmem_shared>> -> memref<1x1x16x2048xf32, #tpu.memory_space<vmem_shared>>
    %dma_start3A_400 = tpu.memref_squeeze %dma_start3A_399 : memref<1x1x16x2048xf32, #tpu.memory_space<vmem_shared>> -> memref<16x2048xf32, #tpu.memory_space<vmem_shared>>
    %dma_start3A_401 = arith.constant 0 : i32
    %dma_start3A_402 = tpu.memref_slice %arg2[%add3A_395, %dma_start3A_401] : memref<8192x2048xf32, #tpu.memory_space<hbm>> -> memref<16x2048xf32, #tpu.memory_space<hbm>>
    tpu.enqueue_dma source(%dma_start3A_402 : memref<16x2048xf32, #tpu.memory_space<hbm>>) target(%dma_start3A_400 : memref<16x2048xf32, #tpu.memory_space<vmem_shared>>) target_semaphore(%arg6 : memref<!tpu.dma_semaphore, #tpu.memory_space<semaphore_mem>>)
    %dma_wait3A_403 = arith.constant 0 : i32
    %dma_wait3A_404 = arith.constant 0 : i32
    %dma_wait3A_405 = arith.constant 0 : i32
    %dma_wait3A_406 = tpu.memref_slice %arg4[%dma_wait3A_403, %arg1, %dma_wait3A_404, %dma_wait3A_405] : memref<2x16x16x2048xf32, #tpu.memory_space<vmem_shared>> -> memref<1x1x16x2048xf32, #tpu.memory_space<vmem_shared>>
    %dma_wait3A_407 = tpu.memref_squeeze %dma_wait3A_406 : memref<1x1x16x2048xf32, #tpu.memory_space<vmem_shared>> -> memref<16x2048xf32, #tpu.memory_space<vmem_shared>>
    %dma_wait3A_408 = arith.constant 0 : i32
    %dma_wait3A_409 = tpu.memref_slice %arg2[%add3A_363, %dma_wait3A_408] : memref<8192x2048xf32, #tpu.memory_space<hbm>> -> memref<16x2048xf32, #tpu.memory_space<hbm>>
    tpu.wait_dma2 semaphore(%arg5 : memref<!tpu.dma_semaphore, #tpu.memory_space<semaphore_mem>>) src(%dma_wait3A_409 : memref<16x2048xf32, #tpu.memory_space<hbm>>) dst(%dma_wait3A_407 : memref<16x2048xf32, #tpu.memory_space<vmem_shared>>)
    %add3A_410 = arith.constant 192 : i32
    %add3A_411 = arith.addi %mul3A_2, %add3A_410 : i32
    %dma_start3A_412 = arith.constant 0 : i32
    %dma_start3A_413 = arith.constant 0 : i32
    %dma_start3A_414 = tpu.memref_slice %arg3[%add3A_411, %dma_start3A_413] : memref<8192x2048xf32, #tpu.memory_space<hbm>> -> memref<16x2048xf32, #tpu.memory_space<hbm>>
    %dma_start3A_415 = arith.constant 0 : i32
    %dma_start3A_416 = arith.constant 0 : i32
    %dma_start3A_417 = tpu.memref_slice %arg4[%dma_start3A_412, %arg1, %dma_start3A_415, %dma_start3A_416] : memref<2x16x16x2048xf32, #tpu.memory_space<vmem_shared>> -> memref<1x1x16x2048xf32, #tpu.memory_space<vmem_shared>>
    %dma_start3A_418 = tpu.memref_squeeze %dma_start3A_417 : memref<1x1x16x2048xf32, #tpu.memory_space<vmem_shared>> -> memref<16x2048xf32, #tpu.memory_space<vmem_shared>>
    tpu.enqueue_dma source(%dma_start3A_418 : memref<16x2048xf32, #tpu.memory_space<vmem_shared>>) target(%dma_start3A_414 : memref<16x2048xf32, #tpu.memory_space<hbm>>) target_semaphore(%arg7 : memref<!tpu.dma_semaphore, #tpu.memory_space<semaphore_mem>>)
    %dma_wait3A_419 = arith.constant 0 : i32
    %dma_wait3A_420 = arith.constant 0 : i32
    %dma_wait3A_421 = tpu.memref_slice %arg3[%add3A_411, %dma_wait3A_420] : memref<8192x2048xf32, #tpu.memory_space<hbm>> -> memref<16x2048xf32, #tpu.memory_space<hbm>>
    %dma_wait3A_422 = arith.constant 0 : i32
    %dma_wait3A_423 = arith.constant 0 : i32
    %dma_wait3A_424 = tpu.memref_slice %arg4[%dma_wait3A_419, %arg1, %dma_wait3A_422, %dma_wait3A_423] : memref<2x16x16x2048xf32, #tpu.memory_space<vmem_shared>> -> memref<1x1x16x2048xf32, #tpu.memory_space<vmem_shared>>
    %dma_wait3A_425 = tpu.memref_squeeze %dma_wait3A_424 : memref<1x1x16x2048xf32, #tpu.memory_space<vmem_shared>> -> memref<16x2048xf32, #tpu.memory_space<vmem_shared>>
    tpu.wait_dma2 semaphore(%arg7 : memref<!tpu.dma_semaphore, #tpu.memory_space<semaphore_mem>>) src(%dma_wait3A_425 : memref<16x2048xf32, #tpu.memory_space<vmem_shared>>) dst(%dma_wait3A_421 : memref<16x2048xf32, #tpu.memory_space<hbm>>)
    %add3A_426 = arith.constant 224 : i32
    %add3A_427 = arith.addi %mul3A_2, %add3A_426 : i32
    %dma_start3A_428 = arith.constant 0 : i32
    %dma_start3A_429 = arith.constant 0 : i32
    %dma_start3A_430 = arith.constant 0 : i32
    %dma_start3A_431 = tpu.memref_slice %arg4[%dma_start3A_428, %arg1, %dma_start3A_429, %dma_start3A_430] : memref<2x16x16x2048xf32, #tpu.memory_space<vmem_shared>> -> memref<1x1x16x2048xf32, #tpu.memory_space<vmem_shared>>
    %dma_start3A_432 = tpu.memref_squeeze %dma_start3A_431 : memref<1x1x16x2048xf32, #tpu.memory_space<vmem_shared>> -> memref<16x2048xf32, #tpu.memory_space<vmem_shared>>
    %dma_start3A_433 = arith.constant 0 : i32
    %dma_start3A_434 = tpu.memref_slice %arg2[%add3A_427, %dma_start3A_433] : memref<8192x2048xf32, #tpu.memory_space<hbm>> -> memref<16x2048xf32, #tpu.memory_space<hbm>>
    tpu.enqueue_dma source(%dma_start3A_434 : memref<16x2048xf32, #tpu.memory_space<hbm>>) target(%dma_start3A_432 : memref<16x2048xf32, #tpu.memory_space<vmem_shared>>) target_semaphore(%arg5 : memref<!tpu.dma_semaphore, #tpu.memory_space<semaphore_mem>>)
    %dma_wait3A_435 = arith.constant 1 : i32
    %dma_wait3A_436 = arith.constant 0 : i32
    %dma_wait3A_437 = arith.constant 0 : i32
    %dma_wait3A_438 = tpu.memref_slice %arg4[%dma_wait3A_435, %arg1, %dma_wait3A_436, %dma_wait3A_437] : memref<2x16x16x2048xf32, #tpu.memory_space<vmem_shared>> -> memref<1x1x16x2048xf32, #tpu.memory_space<vmem_shared>>
    %dma_wait3A_439 = tpu.memref_squeeze %dma_wait3A_438 : memref<1x1x16x2048xf32, #tpu.memory_space<vmem_shared>> -> memref<16x2048xf32, #tpu.memory_space<vmem_shared>>
    %dma_wait3A_440 = arith.constant 0 : i32
    %dma_wait3A_441 = tpu.memref_slice %arg2[%add3A_395, %dma_wait3A_440] : memref<8192x2048xf32, #tpu.memory_space<hbm>> -> memref<16x2048xf32, #tpu.memory_space<hbm>>
    tpu.wait_dma2 semaphore(%arg6 : memref<!tpu.dma_semaphore, #tpu.memory_space<semaphore_mem>>) src(%dma_wait3A_441 : memref<16x2048xf32, #tpu.memory_space<hbm>>) dst(%dma_wait3A_439 : memref<16x2048xf32, #tpu.memory_space<vmem_shared>>)
    %add3A_442 = arith.constant 208 : i32
    %add3A_443 = arith.addi %mul3A_2, %add3A_442 : i32
    %dma_start3A_444 = arith.constant 1 : i32
    %dma_start3A_445 = arith.constant 0 : i32
    %dma_start3A_446 = tpu.memref_slice %arg3[%add3A_443, %dma_start3A_445] : memref<8192x2048xf32, #tpu.memory_space<hbm>> -> memref<16x2048xf32, #tpu.memory_space<hbm>>
    %dma_start3A_447 = arith.constant 0 : i32
    %dma_start3A_448 = arith.constant 0 : i32
    %dma_start3A_449 = tpu.memref_slice %arg4[%dma_start3A_444, %arg1, %dma_start3A_447, %dma_start3A_448] : memref<2x16x16x2048xf32, #tpu.memory_space<vmem_shared>> -> memref<1x1x16x2048xf32, #tpu.memory_space<vmem_shared>>
    %dma_start3A_450 = tpu.memref_squeeze %dma_start3A_449 : memref<1x1x16x2048xf32, #tpu.memory_space<vmem_shared>> -> memref<16x2048xf32, #tpu.memory_space<vmem_shared>>
    tpu.enqueue_dma source(%dma_start3A_450 : memref<16x2048xf32, #tpu.memory_space<vmem_shared>>) target(%dma_start3A_446 : memref<16x2048xf32, #tpu.memory_space<hbm>>) target_semaphore(%arg8 : memref<!tpu.dma_semaphore, #tpu.memory_space<semaphore_mem>>)
    %dma_wait3A_451 = arith.constant 1 : i32
    %dma_wait3A_452 = arith.constant 0 : i32
    %dma_wait3A_453 = tpu.memref_slice %arg3[%add3A_443, %dma_wait3A_452] : memref<8192x2048xf32, #tpu.memory_space<hbm>> -> memref<16x2048xf32, #tpu.memory_space<hbm>>
    %dma_wait3A_454 = arith.constant 0 : i32
    %dma_wait3A_455 = arith.constant 0 : i32
    %dma_wait3A_456 = tpu.memref_slice %arg4[%dma_wait3A_451, %arg1, %dma_wait3A_454, %dma_wait3A_455] : memref<2x16x16x2048xf32, #tpu.memory_space<vmem_shared>> -> memref<1x1x16x2048xf32, #tpu.memory_space<vmem_shared>>
    %dma_wait3A_457 = tpu.memref_squeeze %dma_wait3A_456 : memref<1x1x16x2048xf32, #tpu.memory_space<vmem_shared>> -> memref<16x2048xf32, #tpu.memory_space<vmem_shared>>
    tpu.wait_dma2 semaphore(%arg8 : memref<!tpu.dma_semaphore, #tpu.memory_space<semaphore_mem>>) src(%dma_wait3A_457 : memref<16x2048xf32, #tpu.memory_space<vmem_shared>>) dst(%dma_wait3A_453 : memref<16x2048xf32, #tpu.memory_space<hbm>>)
    %add3A_458 = arith.constant 240 : i32
    %add3A_459 = arith.addi %mul3A_2, %add3A_458 : i32
    %dma_start3A_460 = arith.constant 1 : i32
    %dma_start3A_461 = arith.constant 0 : i32
    %dma_start3A_462 = arith.constant 0 : i32
    %dma_start3A_463 = tpu.memref_slice %arg4[%dma_start3A_460, %arg1, %dma_start3A_461, %dma_start3A_462] : memref<2x16x16x2048xf32, #tpu.memory_space<vmem_shared>> -> memref<1x1x16x2048xf32, #tpu.memory_space<vmem_shared>>
    %dma_start3A_464 = tpu.memref_squeeze %dma_start3A_463 : memref<1x1x16x2048xf32, #tpu.memory_space<vmem_shared>> -> memref<16x2048xf32, #tpu.memory_space<vmem_shared>>
    %dma_start3A_465 = arith.constant 0 : i32
    %dma_start3A_466 = tpu.memref_slice %arg2[%add3A_459, %dma_start3A_465] : memref<8192x2048xf32, #tpu.memory_space<hbm>> -> memref<16x2048xf32, #tpu.memory_space<hbm>>
    tpu.enqueue_dma source(%dma_start3A_466 : memref<16x2048xf32, #tpu.memory_space<hbm>>) target(%dma_start3A_464 : memref<16x2048xf32, #tpu.memory_space<vmem_shared>>) target_semaphore(%arg6 : memref<!tpu.dma_semaphore, #tpu.memory_space<semaphore_mem>>)
    %dma_wait3A_467 = arith.constant 0 : i32
    %dma_wait3A_468 = arith.constant 0 : i32
    %dma_wait3A_469 = arith.constant 0 : i32
    %dma_wait3A_470 = tpu.memref_slice %arg4[%dma_wait3A_467, %arg1, %dma_wait3A_468, %dma_wait3A_469] : memref<2x16x16x2048xf32, #tpu.memory_space<vmem_shared>> -> memref<1x1x16x2048xf32, #tpu.memory_space<vmem_shared>>
    %dma_wait3A_471 = tpu.memref_squeeze %dma_wait3A_470 : memref<1x1x16x2048xf32, #tpu.memory_space<vmem_shared>> -> memref<16x2048xf32, #tpu.memory_space<vmem_shared>>
    %dma_wait3A_472 = arith.constant 0 : i32
    %dma_wait3A_473 = tpu.memref_slice %arg2[%add3A_427, %dma_wait3A_472] : memref<8192x2048xf32, #tpu.memory_space<hbm>> -> memref<16x2048xf32, #tpu.memory_space<hbm>>
    tpu.wait_dma2 semaphore(%arg5 : memref<!tpu.dma_semaphore, #tpu.memory_space<semaphore_mem>>) src(%dma_wait3A_473 : memref<16x2048xf32, #tpu.memory_space<hbm>>) dst(%dma_wait3A_471 : memref<16x2048xf32, #tpu.memory_space<vmem_shared>>)
    %add3A_474 = arith.constant 224 : i32
    %add3A_475 = arith.addi %mul3A_2, %add3A_474 : i32
    %dma_start3A_476 = arith.constant 0 : i32
    %dma_start3A_477 = arith.constant 0 : i32
    %dma_start3A_478 = tpu.memref_slice %arg3[%add3A_475, %dma_start3A_477] : memref<8192x2048xf32, #tpu.memory_space<hbm>> -> memref<16x2048xf32, #tpu.memory_space<hbm>>
    %dma_start3A_479 = arith.constant 0 : i32
    %dma_start3A_480 = arith.constant 0 : i32
    %dma_start3A_481 = tpu.memref_slice %arg4[%dma_start3A_476, %arg1, %dma_start3A_479, %dma_start3A_480] : memref<2x16x16x2048xf32, #tpu.memory_space<vmem_shared>> -> memref<1x1x16x2048xf32, #tpu.memory_space<vmem_shared>>
    %dma_start3A_482 = tpu.memref_squeeze %dma_start3A_481 : memref<1x1x16x2048xf32, #tpu.memory_space<vmem_shared>> -> memref<16x2048xf32, #tpu.memory_space<vmem_shared>>
    tpu.enqueue_dma source(%dma_start3A_482 : memref<16x2048xf32, #tpu.memory_space<vmem_shared>>) target(%dma_start3A_478 : memref<16x2048xf32, #tpu.memory_space<hbm>>) target_semaphore(%arg7 : memref<!tpu.dma_semaphore, #tpu.memory_space<semaphore_mem>>)
    %dma_wait3A_483 = arith.constant 1 : i32
    %dma_wait3A_484 = arith.constant 0 : i32
    %dma_wait3A_485 = arith.constant 0 : i32
    %dma_wait3A_486 = tpu.memref_slice %arg4[%dma_wait3A_483, %arg1, %dma_wait3A_484, %dma_wait3A_485] : memref<2x16x16x2048xf32, #tpu.memory_space<vmem_shared>> -> memref<1x1x16x2048xf32, #tpu.memory_space<vmem_shared>>
    %dma_wait3A_487 = tpu.memref_squeeze %dma_wait3A_486 : memref<1x1x16x2048xf32, #tpu.memory_space<vmem_shared>> -> memref<16x2048xf32, #tpu.memory_space<vmem_shared>>
    %dma_wait3A_488 = arith.constant 0 : i32
    %dma_wait3A_489 = tpu.memref_slice %arg2[%add3A_459, %dma_wait3A_488] : memref<8192x2048xf32, #tpu.memory_space<hbm>> -> memref<16x2048xf32, #tpu.memory_space<hbm>>
    tpu.wait_dma2 semaphore(%arg6 : memref<!tpu.dma_semaphore, #tpu.memory_space<semaphore_mem>>) src(%dma_wait3A_489 : memref<16x2048xf32, #tpu.memory_space<hbm>>) dst(%dma_wait3A_487 : memref<16x2048xf32, #tpu.memory_space<vmem_shared>>)
    %add3A_490 = arith.constant 240 : i32
    %add3A_491 = arith.addi %mul3A_2, %add3A_490 : i32
    %dma_start3A_492 = arith.constant 1 : i32
    %dma_start3A_493 = arith.constant 0 : i32
    %dma_start3A_494 = tpu.memref_slice %arg3[%add3A_491, %dma_start3A_493] : memref<8192x2048xf32, #tpu.memory_space<hbm>> -> memref<16x2048xf32, #tpu.memory_space<hbm>>
    %dma_start3A_495 = arith.constant 0 : i32
    %dma_start3A_496 = arith.constant 0 : i32
    %dma_start3A_497 = tpu.memref_slice %arg4[%dma_start3A_492, %arg1, %dma_start3A_495, %dma_start3A_496] : memref<2x16x16x2048xf32, #tpu.memory_space<vmem_shared>> -> memref<1x1x16x2048xf32, #tpu.memory_space<vmem_shared>>
    %dma_start3A_498 = tpu.memref_squeeze %dma_start3A_497 : memref<1x1x16x2048xf32, #tpu.memory_space<vmem_shared>> -> memref<16x2048xf32, #tpu.memory_space<vmem_shared>>
    tpu.enqueue_dma source(%dma_start3A_498 : memref<16x2048xf32, #tpu.memory_space<vmem_shared>>) target(%dma_start3A_494 : memref<16x2048xf32, #tpu.memory_space<hbm>>) target_semaphore(%arg8 : memref<!tpu.dma_semaphore, #tpu.memory_space<semaphore_mem>>)
    %dma_wait3A_499 = arith.constant 0 : i32
    %dma_wait3A_500 = arith.constant 0 : i32
    %dma_wait3A_501 = tpu.memref_slice %arg3[%add3A_475, %dma_wait3A_500] : memref<8192x2048xf32, #tpu.memory_space<hbm>> -> memref<16x2048xf32, #tpu.memory_space<hbm>>
    %dma_wait3A_502 = arith.constant 0 : i32
    %dma_wait3A_503 = arith.constant 0 : i32
    %dma_wait3A_504 = tpu.memref_slice %arg4[%dma_wait3A_499, %arg1, %dma_wait3A_502, %dma_wait3A_503] : memref<2x16x16x2048xf32, #tpu.memory_space<vmem_shared>> -> memref<1x1x16x2048xf32, #tpu.memory_space<vmem_shared>>
    %dma_wait3A_505 = tpu.memref_squeeze %dma_wait3A_504 : memref<1x1x16x2048xf32, #tpu.memory_space<vmem_shared>> -> memref<16x2048xf32, #tpu.memory_space<vmem_shared>>
    tpu.wait_dma2 semaphore(%arg7 : memref<!tpu.dma_semaphore, #tpu.memory_space<semaphore_mem>>) src(%dma_wait3A_505 : memref<16x2048xf32, #tpu.memory_space<vmem_shared>>) dst(%dma_wait3A_501 : memref<16x2048xf32, #tpu.memory_space<hbm>>)
    %dma_wait3A_506 = arith.constant 1 : i32
    %dma_wait3A_507 = arith.constant 0 : i32
    %dma_wait3A_508 = tpu.memref_slice %arg3[%add3A_491, %dma_wait3A_507] : memref<8192x2048xf32, #tpu.memory_space<hbm>> -> memref<16x2048xf32, #tpu.memory_space<hbm>>
    %dma_wait3A_509 = arith.constant 0 : i32
    %dma_wait3A_510 = arith.constant 0 : i32
    %dma_wait3A_511 = tpu.memref_slice %arg4[%dma_wait3A_506, %arg1, %dma_wait3A_509, %dma_wait3A_510] : memref<2x16x16x2048xf32, #tpu.memory_space<vmem_shared>> -> memref<1x1x16x2048xf32, #tpu.memory_space<vmem_shared>>
    %dma_wait3A_512 = tpu.memref_squeeze %dma_wait3A_511 : memref<1x1x16x2048xf32, #tpu.memory_space<vmem_shared>> -> memref<16x2048xf32, #tpu.memory_space<vmem_shared>>
    tpu.wait_dma2 semaphore(%arg8 : memref<!tpu.dma_semaphore, #tpu.memory_space<semaphore_mem>>) src(%dma_wait3A_512 : memref<16x2048xf32, #tpu.memory_space<vmem_shared>>) dst(%dma_wait3A_508 : memref<16x2048xf32, #tpu.memory_space<hbm>>)
    return
  }
}

</mosaic_0001>

<sc_bundles>
// kernel: kernel.3.cloned.1.call-start
scs
__scs_entry_jumppad:
0x0: {  	(pc) =	sbr.rel $0x88, $3  }
0x1: {  	(tag) =	ssettag $0x0;
	lr =	simm.s32 $0x1  }
0x2: {  	[smem:$0x3FA0] =	sst lr;
	_ =	strace $0xD0000000  }
0x3: {  	_ = 	snop  }
0x4: {  	_ = 	snop  }
0x5: {  	_ = 	snop  }
0x6: {  	_ = 	snop  }
0x7: {  	_ = 	snop  }
__scs_overlays_trampoline_lowered:
0x8: {  	[smem:$0x3FAF] =	sst s0  }
0x9: {  	[smem:$0x3FB0] =	sst s1  }
0xa: {  	[smem:$0x3FB1] =	sst s2  }
0xb: {  	[smem:$0x3FB2] =	sst s3  }
0xc: {  	[smem:$0x3FB3] =	sst s4  }
0xd: {  	[smem:$0x3FB4] =	sst s5  }
0xe: {  	[smem:$0x3FB5] =	sst s6  }
0xf: {  	[smem:$0x3FB6] =	sst s7  }
0x10: {  	[smem:$0x3FB7] =	sst s8  }
0x11: {  	[smem:$0x3FB8] =	sst s9;
	s0 =	simm.s32 @!p0 $0x0  }
0x12: {  	s1 =	sld [smem:$0x3F9E];
	s0 =	simm.s32 @p0 $0x1  }
0x13: {  	[smem:$0x3FB9] =	sst s0;
	s0 =	simm.s32 @!p1 $0x0  }
0x14: {  	s2 =	sld [smem:$0x3F9D];
	s0 =	simm.s32 @p1 $0x1  }
0x15: {  	[smem:$0x3FBA] =	sst s0;
	s0 =	simm.s32 @!p2 $0x0  }
0x16: {  	s3 =	sld [smem:$0x3FDB];
	s0 =	simm.s32 @p2 $0x1  }
0x17: {  	s4 =	simm.s32 $0x1BF5;
	[smem:$0x3FBC] =	sst s0  }
0x18: {  	s0 =	sld [smem:$0x3F9F];
	_ =	swait.ge [sflag:s4], $0x0  }
0x19: {  	s7 =	sld [smem:$0x3FA0]  }
0x1a: {  	s8 =	sadd.s32 $0xFFFFE003, lr  }
0x1b: {  	s9 =	sadd.s32 $0xFFFFFEF7, lr;
	s5 =	simm.s32 $0xFFFFFFFF;
	p2 =	slt.u32 s8, $0xFFFFF086  }
0x1c: {  	p1 =	slt.u32 s9, $0xF7A;
	s5 =	simm.s32 @!p2 $0x0  }
0x1d: {  	s5 =	simm.s32 @p1 $0x1;
	p0 =	seq.s32 s7, s2  }
0x1e: {  	s7 =	smul.u32 @!p0 $0xF7A, s2;
	p2 =	seq.s32 @!p0 s5, $0x0  }
0x1f: {  	s9 =	smul.u32 $0xF7A, s1;
	s8 =	simm.s32 @!p0 $0x1BF5;
	p2 =	por !p2, p0  }
0x20: {  	[sflag:s8] =	ssyncset.s32 @!p0 $0xFFFFF086;
	s6 =	sadd.s32 @!p0 s3, s7;
	s7 =	simm.s32 @!p0 $0x108  }
0x21: {  	s3 =	sadd.s32 s3, s9;
	s6 =	sadd.s32 @!p0 $0x88, s6;
	s7 =	simm.s32 @p2 $0x1082  }
0x22: {  	[simem:s7], [sflag:s8] =	dma.local @!p0 [hbm:s6], $0xF7A  }
0x23: {  	s9 =	sor.u32 $0xD0000000, s2;
	s6 =	simm.s32 $0x108;
	_ =	swait.ge @!p0 [sflag:s8], $0x0  }
0x24: {  	s3 =	sadd.s32 $0x88, s3;
	s6 =	simm.s32 @!p1 $0x1082;
	[sflag:s4] =	ssyncset.s32 $0xFFFFF086  }
0x25: {  	[simem:s6], [sflag:s4] =	dma.local [hbm:s3], $0xF7A  }
0x26: {  	[smem:$0x3FA0] =	sst s1;
	(tag) =	ssettag s2;
	_ =	strace s9  }
0x27: {  	s1 =	sld [smem:$0x3FB0]  }
0x28: {  	s2 =	sld [smem:$0x3FB1]  }
0x29: {  	s4 =	sld [smem:$0x3FB3]  }
0x2a: {  	p0 =	seq.s32 s5, $0x0;
	s5 =	sld [smem:$0x3FB4]  }
0x2b: {  	s6 =	sld [smem:$0x3FB5]  }
0x2c: {  	s7 =	sld [smem:$0x3FB6]  }
0x2d: {  	s3 =	simm.s32 $0x108;
	s8 =	sld [smem:$0x3FB7]  }
0x2e: {  	s3 =	simm.s32 @!p0 $0x1082;
	s9 =	sld [smem:$0x3FB8]  }
0x2f: {  	lr =	sadd.s32 s0, s3;
	s0 =	sld [smem:$0x3FAF]  }
0x30: {  	s3 =	sld [smem:$0x3FB2]  }
0x31: {  	[smem:$0x3FBB] =	sst s10  }
0x32: {  	s10 =	sld [smem:$0x3FB9];
	_ =	sdelay $0x3  }
0x33: {  	p0 =	seq.s32 s10, $0x1;
	s10 =	sld [smem:$0x3FBB];
	_ =	sdelay $0x3  }
0x34: {  	[smem:$0x3FBB] =	sst s10  }
0x35: {  	s10 =	sld [smem:$0x3FBA];
	_ =	sdelay $0x3  }
0x36: {  	p1 =	seq.s32 s10, $0x1;
	s10 =	sld [smem:$0x3FBB];
	_ =	sdelay $0x3  }
0x37: {  	[smem:$0x3FBB] =	sst s10  }
0x38: {  	s10 =	sld [smem:$0x3FBC]  }
0x39: {  	_ = 	snop;
	(pc) =	sbr.ind lr, $3  }
0x3a: {  	_ = 	snop  }
0x3b: {  	_ = 	snop  }
0x3c: {  	p2 =	seq.s32 s10, $0x1;
	s10 =	sld [smem:$0x3FBB]  }
0x3d: {  	_ =	shalt  }
0x3e: {  	_ =	shalt  }
0x3f: {  	_ =	shalt  }
0x40: {  	_ =	shalt  }
0x41: {  	_ =	shalt  }
0x42: {  	_ =	shalt  }
0x43: {  	_ =	shalt  }
0x44: {  	_ =	shalt  }
0x45: {  	_ =	shalt  }
0x46: {  	_ =	shalt  }
0x47: {  	_ =	shalt  }
0x48: {  	_ =	shalt  }
0x49: {  	_ =	shalt  }
0x4a: {  	_ =	shalt  }
0x4b: {  	_ =	shalt  }
0x4c: {  	_ =	shalt  }
0x4d: {  	_ =	shalt  }
0x4e: {  	_ =	shalt  }
0x4f: {  	_ =	shalt  }
0x50: {  	_ =	shalt  }
0x51: {  	_ =	shalt  }
0x52: {  	_ =	shalt  }
0x53: {  	_ =	shalt  }
0x54: {  	_ =	shalt  }
0x55: {  	_ =	shalt  }
0x56: {  	_ =	shalt  }
0x57: {  	_ =	shalt  }
0x58: {  	_ =	shalt  }
0x59: {  	_ =	shalt  }
0x5a: {  	_ =	shalt  }
0x5b: {  	_ =	shalt  }
0x5c: {  	_ =	shalt  }
0x5d: {  	_ =	shalt  }
0x5e: {  	_ =	shalt  }
0x5f: {  	_ =	shalt  }
0x60: {  	_ =	shalt  }
0x61: {  	_ =	shalt  }
0x62: {  	_ =	shalt  }
0x63: {  	_ =	shalt  }
0x64: {  	_ =	shalt  }
0x65: {  	_ =	shalt  }
0x66: {  	_ =	shalt  }
0x67: {  	_ =	shalt  }
0x68: {  	_ =	shalt  }
0x69: {  	_ =	shalt  }
0x6a: {  	_ =	shalt  }
0x6b: {  	_ =	shalt  }
0x6c: {  	_ =	shalt  }
0x6d: {  	_ =	shalt  }
0x6e: {  	_ =	shalt  }
0x6f: {  	_ =	shalt  }
0x70: {  	_ =	shalt  }
0x71: {  	_ =	shalt  }
0x72: {  	_ =	shalt  }
0x73: {  	_ =	shalt  }
0x74: {  	_ =	shalt  }
0x75: {  	_ =	shalt  }
0x76: {  	_ =	shalt  }
0x77: {  	_ =	shalt  }
0x78: {  	_ =	shalt  }
0x79: {  	_ =	shalt  }
0x7a: {  	_ =	shalt  }
0x7b: {  	_ =	shalt  }
0x7c: {  	_ =	shalt  }
0x7d: {  	_ =	shalt  }
0x7e: {  	_ =	shalt  }
0x7f: {  	_ =	shalt  }
0x80: {  	_ =	shalt  }
0x81: {  	_ =	shalt  }
0x82: {  	_ =	shalt  }
0x83: {  	_ =	shalt  }
0x84: {  	_ =	shalt  }
0x85: {  	_ =	shalt  }
0x86: {  	_ =	shalt  }
0x87: {  	_ =	shalt  }
.Lfunc_end0:
.L_simem_size_0:
called_computation_lowered:
.L_overlay_start_0:
0x88: {  	s2 =	sld [smem:$0x3FD9]  }
0x89: {  	s3 =	sld [smem:$0x3FFE];
	_ =	sdelay $0x1  }
0x8a: {  	s1 =	srdreg.scid  }
0x8b: {  	s0 =	sand.u32 $0x1, s1  }
0x8c: {  	s18 =	sshll.u32 s0, $0xA;
	s2 =	sadd.s32 s3, s2  }
0x8d: {  	s2 =	sadd.s32 s2, s18  }
0x8e: {  	[smem:$0x3FC7] =	sst s2  }
0x8f: {  	_ = 	snop  }
0x90: {  	s2 =	sld [smem:$0x3FC9]  }
0x91: {  	s19 =	sld [smem:$0x3FD0];
	(tm) =	ssettm $0x1  }
0x92: {  	s4 =	sld [smem:$0x3FFB];
	_ =	sdelay $0x3  }
0x93: {  	_ =	strace s4  }
0x94: {  	s4 =	sld [smem:$0x3FFC];
	_ =	sdelay $0x3  }
0x95: {  	_ =	strace s4  }
0x96: {  	s4 =	sld [smem:$0x3FFD];
	_ =	sdelay $0x3  }
0x97: {  	_ =	strace s4  }
0x98: {  	_ =	strace $0x8FFFFFFF  }
0x99: {  	s20 =	sld [smem:$0x3FDB];
	_ =	sdelay $0x1  }
0x9a: {  	s5 =	simm.s32 $_scs_section_size  }
0x9b: {  	s6 =	simm.s32 $_size__tile_overlayer_lowered;
	s7 =	simm.s32 $_tile_overlayer_lowered  }
0x9c: {  	s23 =	simm.s32 $0x1BFF;
	s22 =	sshll.u32 s7, $0x1;
	s4 =	sadd.s32 s5, s20  }
0x9d: {  	s8 =	simm.s32 $0x0;
	s21 =	sshll.u32 s6, $0x1;
	s6 =	sadd.s32 s22, s4  }
0x9e: {  	[timem:s8], [sflag:s23] =	dma.local [hbm:s6], s21  }
0x9f: {  	_ =	swait.ge [sflag:s23], s21  }
0xa0: {  	s5 =	ssub.s32 $0x0, s21;
	[sflag:s23] =	ssyncset.done $0x0  }
0xa1: {  	[sflag:s23] =	ssyncadd.s32 s5;
	_ =	sdelay $0x1  }
0xa2: {  	s24 =	simm.s32 $0x1B8B  }
0xa3: {  	_ =	swait.ge [sflag:s24], $0x1  }
0xa4: {  	[sflag:s24] =	ssyncset.done $0x0  }
0xa5: {  	s25 =	simm.s32 $0x1B8E;
	[sflag:s24] =	ssyncadd.s32 $0xFFFFFFFF  }
0xa6: {  	s26 =	simm.s32 $execute0_lowered;
	[smem:$0x3FD2] =	sst s25  }
0xa7: {  	s5 =	sshll.u32 s26, $0x1;
	_ =	strace $0x80000046;
	[dreg:$0x1] =	wrdreg $0xFFFFFFFF  }
0xa8: {  	s28 =	simm.s32 $_size_execute0_lowered;
	s4 =	sadd.s32 s4, s5;
	[dreg:$0x0] =	wrdreg $0x0  }
0xa9: {  	s5 =	sshll.u32 s28, $0x1;
	[dreg:$0x2] =	wrdreg s4  }
0xaa: {  	[dreg:$0x3] =	wrdreg s5  }
0xab: {  	[dreg:$0x4] =	wrdreg $0xC0  }
0xac: {  	_ =	task [dreg:s8], $0x5FFFF  }
0xad: {  	[dreg:$0x1] =	wrdreg $0xFFFFFFFF  }
0xae: {  	[dreg:$0x0] =	wrdreg $0x60  }
0xaf: {  	[dreg:$0x2] =	wrdreg s2  }
0xb0: {  	[dreg:$0x3] =	wrdreg s19  }
0xb1: {  	[dreg:$0x4] =	wrdreg $0x0  }
0xb2: {  	[dreg:$0x5] =	wrdreg $0x9  }
0xb3: {  	_ =	task.clear_ibuf [dreg:s8], $0x6FFFF;
	_ =	strace $0x90000046  }
0xb4: {  	s29 =	simm.s32 $0x9;
	_ =	strace $0x80000048  }
0xb5: {  	_ =	swait.ge [sflag:s29], $0x1  }
0xb6: {  	[sflag:s29] =	ssyncadd.s32 $0xFFFFFFFF  }
0xb7: {  	_ =	strace $0x90000048  }
0xb8: {  	_ =	sfence  }
0xb9: {  	s30 =	sld [smem:$0x0];
	_ =	sdelay $0x2  }
0xba: {  	s31 =	sshll.u32 s1, $0xD;
	s1 =	sshrl.u32 s1, $0x2  }
0xbb: {  	s3 =	sand.u32 $0x4000, s31;
	s1 =	sadd.s32 s1, s30  }
0xbc: {  	s0 =	sor.u32 s3, s0;
	s1 =	sshll.u32 s1, $0x11  }
0xbd: {  	s0 =	sor.u32 s1, s0  }
0xbe: {  	s0 =	sadd.s32 $0x8F2B, s0  }
0xbf: {  	[sflag:s0] =	ssyncadd.remote.s32 $0x1  }
0xc0: {  	_ =	sfence.sel $0xFFFF  }
0xc1: {  	[dreg:$0x0] =	wrdreg $0xFFFFFFFF;
	(pc) =	sbr.abs _section_cstart, $3  }
0xc2: {  	[dreg:$0x1] =	wrdreg $0xFFFFFFFF  }
0xc3: {  	_ =	task.clear_ibuf [dreg:s8], $0x2FFFF;
	_ =	strace $0x9FFFFFFF  }
0xc4: {  	(tm) =	ssettm $0x7FFFFFFF  }
0xc5: {  	_ =	shalt  }
tec
execute0_lowered:
.L_overlay_start_1:
0x0: {  	(tag) =	ssettag $0x1  }
0x1: {  	s4 =	rddreg [dreg:$0x0]  }
0x2: {  	s3 =	rddreg [dreg:$0x1]  }
0x3: {  	s0 =	rddreg [dreg:$0x2]  }
0x4: {  	s30 =	rddreg [dreg:$0x3];
	s2 =	srdreg.scid  }
0x5: {  	s5 =	simm.s32 $0x0;
	s1 =	stileid.u32;
	p0 =	por $0x0, $0x0  }
0x6: {  	s2 =	sand.u32 $0x1, s2;
	[smem:$0x7FF] =	sst s5;
	s6 =	sshll.u32 s1, $0x11  }
0x7: {  	s26 =	sshll.u32 s2, $0x10;
	_ =	strace $0x80000047;
	s2 =	ssub.s32 $0x2, s2  }
0x8: {  	s5 =	sor.u32 s26, s6;
	s9 =	sshrl.u32 s2, $0x1;
	s6 =	sshrl.u32 s6, $0x2  }
0x9: {  	s26 =	sshll.u32 s1, $0x6;
	s7 =	sadd.s32 s4, s5;
	s8 =	sor.u32 $0x1000, s5  }
0xa: {  	s29 =	sadd.s32 s3, s5;
	s10 =	sor.u32 $0x2000, s5;
	[dreg:$0x4] =	wrdreg s7  }
0xb: {  	s9 =	ssub.s32 s2, s9;
	s28 =	sadd.s32 s4, s8;
	[dreg:$0x6] =	wrdreg s29  }
0xc: {  	s13 =	sor.u32 $0x3000, s5;
	s11 =	sadd.s32 s4, s10;
	[dreg:$0x5] =	wrdreg s28  }
0xd: {  	s16 =	sor.u32 $0x4000, s5;
	s12 =	sadd.s32 s3, s8;
	[dreg:$0x7] =	wrdreg s11  }
0xe: {  	s0 =	sadd.s32 s6, s0;
	s14 =	sadd.s32 s4, s13;
	[dreg:$0x8] =	wrdreg s12  }
0xf: {  	s19 =	sor.u32 $0x5000, s5;
	s15 =	sadd.s32 s3, s10;
	[dreg:$0x9] =	wrdreg s14  }
0x10: {  	s22 =	sor.u32 $0x6000, s5;
	s17 =	sadd.s32 s4, s16;
	[dreg:$0xa] =	wrdreg s15  }
0x11: {  	s2 =	sor.u32 $0x1C01, s26;
	s18 =	sadd.s32 s3, s13;
	[dreg:$0xb] =	wrdreg s17  }
0x12: {  	s24 =	sor.u32 $0x7000, s5;
	s20 =	sadd.s32 s4, s19;
	[dreg:$0xc] =	wrdreg s18  }
0x13: {  	s21 =	sadd.s32 s3, s16;
	s23 =	sadd.s32 s4, s22;
	[dreg:$0xd] =	wrdreg s20  }
0x14: {  	s6 =	sadd.s32 s3, s19;
	s25 =	sadd.s32 s4, s24;
	[dreg:$0xe] =	wrdreg s21  }
0x15: {  	s29 =	sor.u32 $0x8000, s5;
	s10 =	sor.u32 $0x9000, s5;
	[dreg:$0xf] =	wrdreg s23  }
0x16: {  	s24 =	sadd.s32 s3, s24;
	s13 =	sor.u32 $0xB000, s5;
	[dreg:$0x10] =	wrdreg s6  }
0x17: {  	s7 =	simm.s32 $0x4;
	s11 =	sadd.s32 $0x80000, s0;
	[dreg:$0x11] =	wrdreg s25  }
0x18: {  	s28 =	sadd.s32 s3, s22;
	s25 =	sadd.s32 s4, s29;
	s23 =	sadd.s32 s4, s10  }
0x19: {  	s12 =	sor.u32 $0xA000, s5;
	s22 =	sadd.s32 s3, s29;
	s20 =	sadd.s32 s3, s10  }
0x1a: {  	s19 =	sadd.s32 s4, s13;
	s14 =	sor.u32 $0xC000, s5;
	s16 =	sadd.s32 s3, s13  }
0x1b: {  	s13 =	sor.u32 $0xE000, s5;
	s29 =	smax.u32 s9, $0x1;
	s9 =	simm.s32 $0x1  }
0x1c: {  	[dreg:$0x12] =	wrdreg s28;
	s21 =	sadd.s32 s4, s12;
	s18 =	sadd.s32 s3, s12  }
0x1d: {  	s17 =	sadd.s32 s4, s14;
	s28 =	sor.u32 $0xD000, s5;
	p1 =	sne.s32 s29, $0x1  }
.Ltmp0:
0x1e: {  	s14 =	sadd.s32 s3, s14;
	s12 =	sadd.s32 s4, s13;
	(pc) =	sbr.rel @!p1 .LBB2_5-.Ltmp0, $4  }
0x1f: {  	s5 =	sor.u32 $0xF000, s5;
	s6 =	sadd.s32 s3, s13;
	s31 =	sadd.s32 $0xFFFFFFFF, s29  }
0x20: {  	s13 =	sshrl.u32 s0, $0x3;
	s0 =	rddreg [dreg:$0x4];
	s15 =	sadd.s32 s4, s28  }
0x21: {  	s10 =	sadd.s32 s3, s28;
	s8 =	sadd.s32 s4, s5;
	s3 =	sadd.s32 s3, s5  }
0x22: {  	s5 =	sshrl.u32 s11, $0x3;
	s4 =	simm.s32 $0x3;
	s11 =	simm.s32 $0x2  }
0x23: {  	[spmem:s13], [sflag:s2] =	dma.local [hbm:s0], $0x1000  }
0x24: {  	s28 =	sor.u32 $0x1C02, s26;
	s0 =	rddreg [dreg:$0x5]  }
0x25: {  	[spmem:s5], [sflag:s28] =	dma.local [hbm:s0], $0x1000  }
0x26: {  	_ =	swait.ge [sflag:s9], $0x1000  }
0x27: {  	[sflag:s9] =	ssyncset.done $0x0  }
0x28: {  	s29 =	sor.u32 $0x1C03, s26;
	s0 =	rddreg [dreg:$0x6];
	[sflag:s9] =	ssyncadd.s32 $0xFFFFF000  }
0x29: {  	[hbm:s0], [sflag:s29] =	dma.local [spmem:s13], $0x1000  }
0x2a: {  	_ =	swait.ge [sflag:s4], $0x1000  }
0x2b: {  	[sflag:s4] =	ssyncset.done $0x0  }
0x2c: {  	s0 =	rddreg [dreg:$0x7];
	[sflag:s4] =	ssyncadd.s32 $0xFFFFF000  }
0x2d: {  	[spmem:s13], [sflag:s2] =	dma.local [hbm:s0], $0x1000  }
0x2e: {  	_ =	swait.ge [sflag:s11], $0x1000  }
0x2f: {  	[sflag:s11] =	ssyncset.done $0x0  }
0x30: {  	s30 =	sor.u32 $0x1C04, s26;
	s0 =	rddreg [dreg:$0x8];
	[sflag:s11] =	ssyncadd.s32 $0xFFFFF000  }
0x31: {  	[hbm:s0], [sflag:s30] =	dma.local [spmem:s5], $0x1000  }
0x32: {  	_ =	swait.ge [sflag:s7], $0x1000  }
0x33: {  	[sflag:s7] =	ssyncset.done $0x0  }
0x34: {  	s0 =	rddreg [dreg:$0x9];
	[sflag:s7] =	ssyncadd.s32 $0xFFFFF000  }
0x35: {  	[spmem:s5], [sflag:s28] =	dma.local [hbm:s0], $0x1000  }
0x36: {  	_ =	swait.ge [sflag:s9], $0x1000  }
0x37: {  	[sflag:s9] =	ssyncset.done $0x0  }
0x38: {  	s0 =	rddreg [dreg:$0xa];
	[sflag:s9] =	ssyncadd.s32 $0xFFFFF000  }
0x39: {  	[hbm:s0], [sflag:s29] =	dma.local [spmem:s13], $0x1000  }
0x3a: {  	_ =	swait.ge [sflag:s4], $0x1000  }
0x3b: {  	[sflag:s4] =	ssyncset.done $0x0  }
0x3c: {  	s0 =	rddreg [dreg:$0xb];
	[sflag:s4] =	ssyncadd.s32 $0xFFFFF000  }
0x3d: {  	[spmem:s13], [sflag:s2] =	dma.local [hbm:s0], $0x1000  }
0x3e: {  	_ =	swait.ge [sflag:s11], $0x1000  }
0x3f: {  	[sflag:s11] =	ssyncset.done $0x0  }
0x40: {  	s0 =	rddreg [dreg:$0xc];
	[sflag:s11] =	ssyncadd.s32 $0xFFFFF000  }
0x41: {  	[hbm:s0], [sflag:s30] =	dma.local [spmem:s5], $0x1000  }
0x42: {  	_ =	swait.ge [sflag:s7], $0x1000  }
0x43: {  	[sflag:s7] =	ssyncset.done $0x0  }
0x44: {  	s0 =	rddreg [dreg:$0xd];
	[sflag:s7] =	ssyncadd.s32 $0xFFFFF000  }
0x45: {  	[spmem:s5], [sflag:s28] =	dma.local [hbm:s0], $0x1000  }
0x46: {  	_ =	swait.ge [sflag:s9], $0x1000  }
0x47: {  	[sflag:s9] =	ssyncset.done $0x0  }
0x48: {  	s0 =	rddreg [dreg:$0xe];
	[sflag:s9] =	ssyncadd.s32 $0xFFFFF000  }
0x49: {  	[hbm:s0], [sflag:s29] =	dma.local [spmem:s13], $0x1000  }
0x4a: {  	_ =	swait.ge [sflag:s4], $0x1000  }
0x4b: {  	[sflag:s4] =	ssyncset.done $0x0  }
0x4c: {  	s0 =	rddreg [dreg:$0xf];
	[sflag:s4] =	ssyncadd.s32 $0xFFFFF000  }
0x4d: {  	[spmem:s13], [sflag:s2] =	dma.local [hbm:s0], $0x1000  }
0x4e: {  	_ =	swait.ge [sflag:s11], $0x1000  }
0x4f: {  	[sflag:s11] =	ssyncset.done $0x0  }
0x50: {  	s0 =	rddreg [dreg:$0x10];
	[sflag:s11] =	ssyncadd.s32 $0xFFFFF000  }
0x51: {  	[hbm:s0], [sflag:s30] =	dma.local [spmem:s5], $0x1000  }
0x52: {  	_ =	swait.ge [sflag:s7], $0x1000  }
0x53: {  	[sflag:s7] =	ssyncset.done $0x0  }
0x54: {  	s0 =	rddreg [dreg:$0x11];
	[sflag:s7] =	ssyncadd.s32 $0xFFFFF000  }
0x55: {  	[spmem:s5], [sflag:s28] =	dma.local [hbm:s0], $0x1000  }
0x56: {  	_ =	swait.ge [sflag:s9], $0x1000  }
0x57: {  	[sflag:s9] =	ssyncset.done $0x0  }
0x58: {  	s0 =	rddreg [dreg:$0x12];
	[sflag:s9] =	ssyncadd.s32 $0xFFFFF000  }
0x59: {  	[hbm:s0], [sflag:s29] =	dma.local [spmem:s13], $0x1000  }
0x5a: {  	_ =	swait.ge [sflag:s4], $0x1000  }
0x5b: {  	[sflag:s4] =	ssyncset.done $0x0  }
0x5c: {  	[sflag:s4] =	ssyncadd.s32 $0xFFFFF000  }
0x5d: {  	[spmem:s13], [sflag:s2] =	dma.local [hbm:s25], $0x1000  }
0x5e: {  	_ =	swait.ge [sflag:s11], $0x1000  }
0x5f: {  	[sflag:s11] =	ssyncset.done $0x0  }
0x60: {  	[sflag:s11] =	ssyncadd.s32 $0xFFFFF000  }
0x61: {  	[hbm:s24], [sflag:s30] =	dma.local [spmem:s5], $0x1000  }
0x62: {  	_ =	swait.ge [sflag:s7], $0x1000  }
0x63: {  	[sflag:s7] =	ssyncset.done $0x0  }
0x64: {  	[sflag:s7] =	ssyncadd.s32 $0xFFFFF000  }
0x65: {  	[spmem:s5], [sflag:s28] =	dma.local [hbm:s23], $0x1000  }
0x66: {  	_ =	swait.ge [sflag:s9], $0x1000  }
0x67: {  	[sflag:s9] =	ssyncset.done $0x0  }
0x68: {  	[sflag:s9] =	ssyncadd.s32 $0xFFFFF000  }
0x69: {  	[hbm:s22], [sflag:s29] =	dma.local [spmem:s13], $0x1000  }
0x6a: {  	_ =	swait.ge [sflag:s4], $0x1000  }
0x6b: {  	[sflag:s4] =	ssyncset.done $0x0  }
0x6c: {  	[sflag:s4] =	ssyncadd.s32 $0xFFFFF000  }
0x6d: {  	[spmem:s13], [sflag:s2] =	dma.local [hbm:s21], $0x1000  }
0x6e: {  	_ =	swait.ge [sflag:s11], $0x1000  }
0x6f: {  	[sflag:s11] =	ssyncset.done $0x0  }
0x70: {  	[sflag:s11] =	ssyncadd.s32 $0xFFFFF000  }
0x71: {  	[hbm:s20], [sflag:s30] =	dma.local [spmem:s5], $0x1000  }
0x72: {  	_ =	swait.ge [sflag:s7], $0x1000  }
0x73: {  	[sflag:s7] =	ssyncset.done $0x0  }
0x74: {  	[sflag:s7] =	ssyncadd.s32 $0xFFFFF000  }
0x75: {  	[spmem:s5], [sflag:s28] =	dma.local [hbm:s19], $0x1000  }
0x76: {  	_ =	swait.ge [sflag:s9], $0x1000  }
0x77: {  	[sflag:s9] =	ssyncset.done $0x0  }
0x78: {  	[sflag:s9] =	ssyncadd.s32 $0xFFFFF000  }
0x79: {  	[hbm:s18], [sflag:s29] =	dma.local [spmem:s13], $0x1000  }
0x7a: {  	_ =	swait.ge [sflag:s4], $0x1000  }
0x7b: {  	[sflag:s4] =	ssyncset.done $0x0  }
0x7c: {  	[sflag:s4] =	ssyncadd.s32 $0xFFFFF000  }
0x7d: {  	[spmem:s13], [sflag:s2] =	dma.local [hbm:s17], $0x1000  }
0x7e: {  	_ =	swait.ge [sflag:s11], $0x1000  }
0x7f: {  	[sflag:s11] =	ssyncset.done $0x0  }
0x80: {  	[sflag:s11] =	ssyncadd.s32 $0xFFFFF000  }
0x81: {  	[hbm:s16], [sflag:s30] =	dma.local [spmem:s5], $0x1000  }
0x82: {  	_ =	swait.ge [sflag:s7], $0x1000  }
0x83: {  	[sflag:s7] =	ssyncset.done $0x0  }
0x84: {  	[sflag:s7] =	ssyncadd.s32 $0xFFFFF000  }
0x85: {  	[spmem:s5], [sflag:s28] =	dma.local [hbm:s15], $0x1000  }
0x86: {  	_ =	swait.ge [sflag:s9], $0x1000  }
0x87: {  	[sflag:s9] =	ssyncset.done $0x0  }
0x88: {  	[sflag:s9] =	ssyncadd.s32 $0xFFFFF000  }
0x89: {  	[hbm:s14], [sflag:s29] =	dma.local [spmem:s13], $0x1000  }
0x8a: {  	_ =	swait.ge [sflag:s4], $0x1000  }
0x8b: {  	[sflag:s4] =	ssyncset.done $0x0  }
0x8c: {  	[sflag:s4] =	ssyncadd.s32 $0xFFFFF000  }
0x8d: {  	[spmem:s13], [sflag:s2] =	dma.local [hbm:s12], $0x1000  }
0x8e: {  	_ =	swait.ge [sflag:s11], $0x1000  }
0x8f: {  	[sflag:s11] =	ssyncset.done $0x0  }
0x90: {  	[sflag:s11] =	ssyncadd.s32 $0xFFFFF000  }
0x91: {  	[hbm:s10], [sflag:s30] =	dma.local [spmem:s5], $0x1000  }
0x92: {  	_ =	swait.ge [sflag:s7], $0x1000  }
0x93: {  	[sflag:s7] =	ssyncset.done $0x0  }
0x94: {  	[sflag:s7] =	ssyncadd.s32 $0xFFFFF000  }
0x95: {  	[spmem:s5], [sflag:s28] =	dma.local [hbm:s8], $0x1000  }
0x96: {  	_ =	swait.ge [sflag:s9], $0x1000  }
0x97: {  	[sflag:s9] =	ssyncset.done $0x0  }
0x98: {  	[sflag:s9] =	ssyncadd.s32 $0xFFFFF000  }
0x99: {  	[hbm:s6], [sflag:s29] =	dma.local [spmem:s13], $0x1000  }
0x9a: {  	_ =	swait.ge [sflag:s11], $0x1000  }
0x9b: {  	[sflag:s11] =	ssyncset.done $0x0  }
0x9c: {  	p1 =	sne.s32 s31, $0x1;
	[sflag:s11] =	ssyncadd.s32 $0xFFFFF000  }
0x9d: {  	[hbm:s3], [sflag:s30] =	dma.local [spmem:s5], $0x1000  }
.Ltmp1:
0x9e: {  	_ =	swait.ge [sflag:s4], $0x1000;
	(pc) =	sbr.rel @!p1 .LBB2_2-.Ltmp1, $4  }
0x9f: {  	[sflag:s4] =	ssyncset.done $0x0  }
0xa0: {  	[sflag:s4] =	ssyncadd.s32 $0xFFFFF000  }
0xa1: {  	s31 =	sadd.s32 $0xFFFFFFFF, s31;
	_ =	swait.ge [sflag:s7], $0x1000  }
0xa2: {  	p0 =	por $0x1, $0x1;
	s0 =	rddreg [dreg:$0x4];
	[sflag:s7] =	ssyncset.done $0x0  }
.LBB2_3:
0xa3: {  	[sflag:s7] =	ssyncadd.s32 $0xFFFFF000  }
0xa4: {  	[spmem:s13], [sflag:s2] =	dma.local [hbm:s0], $0x1000  }
0xa5: {  	s0 =	rddreg [dreg:$0x5]  }
0xa6: {  	[spmem:s5], [sflag:s28] =	dma.local [hbm:s0], $0x1000  }
0xa7: {  	_ =	swait.ge [sflag:s9], $0x1000  }
0xa8: {  	[sflag:s9] =	ssyncset.done $0x0  }
0xa9: {  	s0 =	rddreg [dreg:$0x6];
	[sflag:s9] =	ssyncadd.s32 $0xFFFFF000  }
0xaa: {  	[hbm:s0], [sflag:s29] =	dma.local [spmem:s13], $0x1000  }
0xab: {  	_ =	swait.ge [sflag:s4], $0x1000  }
0xac: {  	[sflag:s4] =	ssyncset.done $0x0  }
0xad: {  	s0 =	rddreg [dreg:$0x7];
	[sflag:s4] =	ssyncadd.s32 $0xFFFFF000  }
0xae: {  	[spmem:s13], [sflag:s2] =	dma.local [hbm:s0], $0x1000  }
0xaf: {  	_ =	swait.ge [sflag:s11], $0x1000  }
0xb0: {  	[sflag:s11] =	ssyncset.done $0x0  }
0xb1: {  	s0 =	rddreg [dreg:$0x8];
	[sflag:s11] =	ssyncadd.s32 $0xFFFFF000  }
0xb2: {  	[hbm:s0], [sflag:s30] =	dma.local [spmem:s5], $0x1000  }
0xb3: {  	_ =	swait.ge [sflag:s7], $0x1000  }
0xb4: {  	[sflag:s7] =	ssyncset.done $0x0  }
0xb5: {  	s0 =	rddreg [dreg:$0x9];
	[sflag:s7] =	ssyncadd.s32 $0xFFFFF000  }
0xb6: {  	[spmem:s5], [sflag:s28] =	dma.local [hbm:s0], $0x1000  }
0xb7: {  	_ =	swait.ge [sflag:s9], $0x1000  }
0xb8: {  	[sflag:s9] =	ssyncset.done $0x0  }
0xb9: {  	s0 =	rddreg [dreg:$0xa];
	[sflag:s9] =	ssyncadd.s32 $0xFFFFF000  }
0xba: {  	[hbm:s0], [sflag:s29] =	dma.local [spmem:s13], $0x1000  }
0xbb: {  	_ =	swait.ge [sflag:s4], $0x1000  }
0xbc: {  	[sflag:s4] =	ssyncset.done $0x0  }
0xbd: {  	s0 =	rddreg [dreg:$0xb];
	[sflag:s4] =	ssyncadd.s32 $0xFFFFF000  }
0xbe: {  	[spmem:s13], [sflag:s2] =	dma.local [hbm:s0], $0x1000  }
0xbf: {  	_ =	swait.ge [sflag:s11], $0x1000  }
0xc0: {  	[sflag:s11] =	ssyncset.done $0x0  }
0xc1: {  	s0 =	rddreg [dreg:$0xc];
	[sflag:s11] =	ssyncadd.s32 $0xFFFFF000  }
0xc2: {  	[hbm:s0], [sflag:s30] =	dma.local [spmem:s5], $0x1000  }
0xc3: {  	_ =	swait.ge [sflag:s7], $0x1000  }
0xc4: {  	[sflag:s7] =	ssyncset.done $0x0  }
0xc5: {  	s0 =	rddreg [dreg:$0xd];
	[sflag:s7] =	ssyncadd.s32 $0xFFFFF000  }
0xc6: {  	[spmem:s5], [sflag:s28] =	dma.local [hbm:s0], $0x1000  }
0xc7: {  	_ =	swait.ge [sflag:s9], $0x1000  }
0xc8: {  	[sflag:s9] =	ssyncset.done $0x0  }
0xc9: {  	s0 =	rddreg [dreg:$0xe];
	[sflag:s9] =	ssyncadd.s32 $0xFFFFF000  }
0xca: {  	[hbm:s0], [sflag:s29] =	dma.local [spmem:s13], $0x1000  }
0xcb: {  	_ =	swait.ge [sflag:s4], $0x1000  }
0xcc: {  	[sflag:s4] =	ssyncset.done $0x0  }
0xcd: {  	s0 =	rddreg [dreg:$0xf];
	[sflag:s4] =	ssyncadd.s32 $0xFFFFF000  }
0xce: {  	[spmem:s13], [sflag:s2] =	dma.local [hbm:s0], $0x1000  }
0xcf: {  	_ =	swait.ge [sflag:s11], $0x1000  }
0xd0: {  	[sflag:s11] =	ssyncset.done $0x0  }
0xd1: {  	s0 =	rddreg [dreg:$0x10];
	[sflag:s11] =	ssyncadd.s32 $0xFFFFF000  }
0xd2: {  	[hbm:s0], [sflag:s30] =	dma.local [spmem:s5], $0x1000  }
0xd3: {  	_ =	swait.ge [sflag:s7], $0x1000  }
0xd4: {  	[sflag:s7] =	ssyncset.done $0x0  }
0xd5: {  	s0 =	rddreg [dreg:$0x11];
	[sflag:s7] =	ssyncadd.s32 $0xFFFFF000  }
0xd6: {  	[spmem:s5], [sflag:s28] =	dma.local [hbm:s0], $0x1000  }
0xd7: {  	_ =	swait.ge [sflag:s9], $0x1000  }
0xd8: {  	[sflag:s9] =	ssyncset.done $0x0  }
0xd9: {  	s0 =	rddreg [dreg:$0x12];
	[sflag:s9] =	ssyncadd.s32 $0xFFFFF000  }
0xda: {  	[hbm:s0], [sflag:s29] =	dma.local [spmem:s13], $0x1000  }
0xdb: {  	_ =	swait.ge [sflag:s4], $0x1000  }
0xdc: {  	[sflag:s4] =	ssyncset.done $0x0  }
0xdd: {  	[sflag:s4] =	ssyncadd.s32 $0xFFFFF000  }
0xde: {  	[spmem:s13], [sflag:s2] =	dma.local [hbm:s25], $0x1000  }
0xdf: {  	_ =	swait.ge [sflag:s11], $0x1000  }
0xe0: {  	[sflag:s11] =	ssyncset.done $0x0  }
0xe1: {  	[sflag:s11] =	ssyncadd.s32 $0xFFFFF000  }
0xe2: {  	[hbm:s24], [sflag:s30] =	dma.local [spmem:s5], $0x1000  }
0xe3: {  	_ =	swait.ge [sflag:s7], $0x1000  }
0xe4: {  	[sflag:s7] =	ssyncset.done $0x0  }
0xe5: {  	[sflag:s7] =	ssyncadd.s32 $0xFFFFF000  }
0xe6: {  	[spmem:s5], [sflag:s28] =	dma.local [hbm:s23], $0x1000  }
0xe7: {  	_ =	swait.ge [sflag:s9], $0x1000  }
0xe8: {  	[sflag:s9] =	ssyncset.done $0x0  }
0xe9: {  	[sflag:s9] =	ssyncadd.s32 $0xFFFFF000  }
0xea: {  	[hbm:s22], [sflag:s29] =	dma.local [spmem:s13], $0x1000  }
0xeb: {  	_ =	swait.ge [sflag:s4], $0x1000  }
0xec: {  	[sflag:s4] =	ssyncset.done $0x0  }
0xed: {  	[sflag:s4] =	ssyncadd.s32 $0xFFFFF000  }
0xee: {  	[spmem:s13], [sflag:s2] =	dma.local [hbm:s21], $0x1000  }
0xef: {  	_ =	swait.ge [sflag:s11], $0x1000  }
0xf0: {  	[sflag:s11] =	ssyncset.done $0x0  }
0xf1: {  	[sflag:s11] =	ssyncadd.s32 $0xFFFFF000  }
0xf2: {  	[hbm:s20], [sflag:s30] =	dma.local [spmem:s5], $0x1000  }
0xf3: {  	_ =	swait.ge [sflag:s7], $0x1000  }
0xf4: {  	[sflag:s7] =	ssyncset.done $0x0  }
0xf5: {  	[sflag:s7] =	ssyncadd.s32 $0xFFFFF000  }
0xf6: {  	[spmem:s5], [sflag:s28] =	dma.local [hbm:s19], $0x1000  }
0xf7: {  	_ =	swait.ge [sflag:s9], $0x1000  }
0xf8: {  	[sflag:s9] =	ssyncset.done $0x0  }
0xf9: {  	[sflag:s9] =	ssyncadd.s32 $0xFFFFF000  }
0xfa: {  	[hbm:s18], [sflag:s29] =	dma.local [spmem:s13], $0x1000  }
0xfb: {  	_ =	swait.ge [sflag:s4], $0x1000  }
0xfc: {  	[sflag:s4] =	ssyncset.done $0x0  }
0xfd: {  	[sflag:s4] =	ssyncadd.s32 $0xFFFFF000  }
0xfe: {  	[spmem:s13], [sflag:s2] =	dma.local [hbm:s17], $0x1000  }
0xff: {  	_ =	swait.ge [sflag:s11], $0x1000  }
0x100: {  	[sflag:s11] =	ssyncset.done $0x0  }
0x101: {  	[sflag:s11] =	ssyncadd.s32 $0xFFFFF000  }
0x102: {  	[hbm:s16], [sflag:s30] =	dma.local [spmem:s5], $0x1000  }
0x103: {  	_ =	swait.ge [sflag:s7], $0x1000  }
0x104: {  	[sflag:s7] =	ssyncset.done $0x0  }
0x105: {  	[sflag:s7] =	ssyncadd.s32 $0xFFFFF000  }
0x106: {  	[spmem:s5], [sflag:s28] =	dma.local [hbm:s15], $0x1000  }
0x107: {  	_ =	swait.ge [sflag:s9], $0x1000  }
0x108: {  	[sflag:s9] =	ssyncset.done $0x0  }
0x109: {  	[sflag:s9] =	ssyncadd.s32 $0xFFFFF000  }
0x10a: {  	[hbm:s14], [sflag:s29] =	dma.local [spmem:s13], $0x1000  }
0x10b: {  	_ =	swait.ge [sflag:s4], $0x1000  }
0x10c: {  	[sflag:s4] =	ssyncset.done $0x0  }
0x10d: {  	[sflag:s4] =	ssyncadd.s32 $0xFFFFF000  }
0x10e: {  	[spmem:s13], [sflag:s2] =	dma.local [hbm:s12], $0x1000  }
0x10f: {  	_ =	swait.ge [sflag:s11], $0x1000  }
0x110: {  	[sflag:s11] =	ssyncset.done $0x0  }
0x111: {  	[sflag:s11] =	ssyncadd.s32 $0xFFFFF000  }
0x112: {  	[hbm:s10], [sflag:s30] =	dma.local [spmem:s5], $0x1000  }
0x113: {  	_ =	swait.ge [sflag:s7], $0x1000  }
0x114: {  	[sflag:s7] =	ssyncset.done $0x0  }
0x115: {  	[sflag:s7] =	ssyncadd.s32 $0xFFFFF000  }
0x116: {  	[spmem:s5], [sflag:s28] =	dma.local [hbm:s8], $0x1000  }
0x117: {  	_ =	swait.ge [sflag:s9], $0x1000  }
0x118: {  	[sflag:s9] =	ssyncset.done $0x0  }
0x119: {  	[sflag:s9] =	ssyncadd.s32 $0xFFFFF000  }
0x11a: {  	[hbm:s6], [sflag:s29] =	dma.local [spmem:s13], $0x1000  }
0x11b: {  	_ =	swait.ge [sflag:s11], $0x1000  }
0x11c: {  	[sflag:s11] =	ssyncset.done $0x0  }
0x11d: {  	p1 =	sne.s32 s31, $0x1;
	[sflag:s11] =	ssyncadd.s32 $0xFFFFF000  }
0x11e: {  	[hbm:s3], [sflag:s30] =	dma.local [spmem:s5], $0x1000  }
.Ltmp2:
0x11f: {  	_ =	swait.ge [sflag:s4], $0x1000;
	(pc) =	sbr.rel @p1 .LBB2_3-.Ltmp2, $4  }
0x120: {  	[sflag:s4] =	ssyncset.done $0x0  }
0x121: {  	[sflag:s4] =	ssyncadd.s32 $0xFFFFF000  }
0x122: {  	_ =	swait.ge [sflag:s7], $0x1000  }
0x123: {  	s31 =	sadd.s32 $0xFFFFFFFF, s31;
	s0 =	rddreg [dreg:$0x4];
	[sflag:s7] =	ssyncset.done $0x0  }
0x124: {  	s30 =	rddreg [dreg:$0x3]  }
.LBB2_5:
0x125: {  	[sflag:s7] =	ssyncadd.s32 @p0 $0xFFFFF000  }
0x126: {  	[spmem:s13], [sflag:s2] =	dma.local [hbm:s0], $0x1000  }
0x127: {  	s28 =	sor.u32 $0x1C02, s26;
	s0 =	rddreg [dreg:$0x5]  }
0x128: {  	[spmem:s5], [sflag:s28] =	dma.local [hbm:s0], $0x1000  }
0x129: {  	_ =	swait.ge [sflag:s9], $0x1000  }
0x12a: {  	[sflag:s9] =	ssyncset.done $0x0  }
0x12b: {  	s29 =	sor.u32 $0x1C03, s26;
	s31 =	rddreg [dreg:$0x6];
	[sflag:s9] =	ssyncadd.s32 $0xFFFFF000  }
0x12c: {  	[hbm:s31], [sflag:s29] =	dma.local [spmem:s13], $0x1000  }
0x12d: {  	_ =	swait.ge [sflag:s4], $0x1000  }
0x12e: {  	[sflag:s4] =	ssyncset.done $0x0  }
0x12f: {  	s31 =	rddreg [dreg:$0x7];
	[sflag:s4] =	ssyncadd.s32 $0xFFFFF000  }
0x130: {  	[spmem:s13], [sflag:s2] =	dma.local [hbm:s31], $0x1000  }
0x131: {  	_ =	swait.ge [sflag:s11], $0x1000  }
0x132: {  	[sflag:s11] =	ssyncset.done $0x0  }
0x133: {  	s26 =	sor.u32 $0x1C04, s26;
	s31 =	rddreg [dreg:$0x8];
	[sflag:s11] =	ssyncadd.s32 $0xFFFFF000  }
0x134: {  	[hbm:s31], [sflag:s26] =	dma.local [spmem:s5], $0x1000  }
0x135: {  	_ =	swait.ge [sflag:s7], $0x1000  }
0x136: {  	[sflag:s7] =	ssyncset.done $0x0  }
0x137: {  	s31 =	rddreg [dreg:$0x9];
	[sflag:s7] =	ssyncadd.s32 $0xFFFFF000  }
0x138: {  	[spmem:s5], [sflag:s28] =	dma.local [hbm:s31], $0x1000  }
0x139: {  	_ =	swait.ge [sflag:s9], $0x1000  }
0x13a: {  	[sflag:s9] =	ssyncset.done $0x0  }
0x13b: {  	s31 =	rddreg [dreg:$0xa];
	[sflag:s9] =	ssyncadd.s32 $0xFFFFF000  }
0x13c: {  	[hbm:s31], [sflag:s29] =	dma.local [spmem:s13], $0x1000  }
0x13d: {  	_ =	swait.ge [sflag:s4], $0x1000  }
0x13e: {  	[sflag:s4] =	ssyncset.done $0x0  }
0x13f: {  	s31 =	rddreg [dreg:$0xb];
	[sflag:s4] =	ssyncadd.s32 $0xFFFFF000  }
0x140: {  	[spmem:s13], [sflag:s2] =	dma.local [hbm:s31], $0x1000  }
0x141: {  	_ =	swait.ge [sflag:s11], $0x1000  }
0x142: {  	[sflag:s11] =	ssyncset.done $0x0  }
0x143: {  	s31 =	rddreg [dreg:$0xc];
	[sflag:s11] =	ssyncadd.s32 $0xFFFFF000  }
0x144: {  	[hbm:s31], [sflag:s26] =	dma.local [spmem:s5], $0x1000  }
0x145: {  	_ =	swait.ge [sflag:s7], $0x1000  }
0x146: {  	[sflag:s7] =	ssyncset.done $0x0  }
0x147: {  	s31 =	rddreg [dreg:$0xd];
	[sflag:s7] =	ssyncadd.s32 $0xFFFFF000  }
0x148: {  	[spmem:s5], [sflag:s28] =	dma.local [hbm:s31], $0x1000  }
0x149: {  	_ =	swait.ge [sflag:s9], $0x1000  }
0x14a: {  	[sflag:s9] =	ssyncset.done $0x0  }
0x14b: {  	s31 =	rddreg [dreg:$0xe];
	[sflag:s9] =	ssyncadd.s32 $0xFFFFF000  }
0x14c: {  	[hbm:s31], [sflag:s29] =	dma.local [spmem:s13], $0x1000  }
0x14d: {  	_ =	swait.ge [sflag:s4], $0x1000  }
0x14e: {  	[sflag:s4] =	ssyncset.done $0x0  }
0x14f: {  	s31 =	rddreg [dreg:$0xf];
	[sflag:s4] =	ssyncadd.s32 $0xFFFFF000  }
0x150: {  	[spmem:s13], [sflag:s2] =	dma.local [hbm:s31], $0x1000  }
0x151: {  	_ =	swait.ge [sflag:s11], $0x1000  }
0x152: {  	[sflag:s11] =	ssyncset.done $0x0  }
0x153: {  	s31 =	rddreg [dreg:$0x10];
	[sflag:s11] =	ssyncadd.s32 $0xFFFFF000  }
0x154: {  	[hbm:s31], [sflag:s26] =	dma.local [spmem:s5], $0x1000  }
0x155: {  	_ =	swait.ge [sflag:s7], $0x1000  }
0x156: {  	[sflag:s7] =	ssyncset.done $0x0  }
0x157: {  	s31 =	rddreg [dreg:$0x11];
	[sflag:s7] =	ssyncadd.s32 $0xFFFFF000  }
0x158: {  	[spmem:s5], [sflag:s28] =	dma.local [hbm:s31], $0x1000  }
0x159: {  	_ =	swait.ge [sflag:s9], $0x1000  }
0x15a: {  	[sflag:s9] =	ssyncset.done $0x0  }
0x15b: {  	s31 =	rddreg [dreg:$0x12];
	[sflag:s9] =	ssyncadd.s32 $0xFFFFF000  }
0x15c: {  	[hbm:s31], [sflag:s29] =	dma.local [spmem:s13], $0x1000  }
0x15d: {  	_ =	swait.ge [sflag:s4], $0x1000  }
0x15e: {  	[sflag:s4] =	ssyncset.done $0x0  }
0x15f: {  	[sflag:s4] =	ssyncadd.s32 $0xFFFFF000  }
0x160: {  	[spmem:s13], [sflag:s2] =	dma.local [hbm:s25], $0x1000  }
0x161: {  	_ =	swait.ge [sflag:s11], $0x1000  }
0x162: {  	[sflag:s11] =	ssyncset.done $0x0  }
0x163: {  	[sflag:s11] =	ssyncadd.s32 $0xFFFFF000  }
0x164: {  	[hbm:s24], [sflag:s26] =	dma.local [spmem:s5], $0x1000  }
0x165: {  	_ =	swait.ge [sflag:s7], $0x1000  }
0x166: {  	[sflag:s7] =	ssyncset.done $0x0  }
0x167: {  	[sflag:s7] =	ssyncadd.s32 $0xFFFFF000  }
0x168: {  	[spmem:s5], [sflag:s28] =	dma.local [hbm:s23], $0x1000  }
0x169: {  	_ =	swait.ge [sflag:s9], $0x1000  }
0x16a: {  	[sflag:s9] =	ssyncset.done $0x0  }
0x16b: {  	[sflag:s9] =	ssyncadd.s32 $0xFFFFF000  }
0x16c: {  	[hbm:s22], [sflag:s29] =	dma.local [spmem:s13], $0x1000  }
0x16d: {  	_ =	swait.ge [sflag:s4], $0x1000  }
0x16e: {  	[sflag:s4] =	ssyncset.done $0x0  }
0x16f: {  	[sflag:s4] =	ssyncadd.s32 $0xFFFFF000  }
0x170: {  	[spmem:s13], [sflag:s2] =	dma.local [hbm:s21], $0x1000  }
0x171: {  	_ =	swait.ge [sflag:s11], $0x1000  }
0x172: {  	[sflag:s11] =	ssyncset.done $0x0  }
0x173: {  	[sflag:s11] =	ssyncadd.s32 $0xFFFFF000  }
0x174: {  	[hbm:s20], [sflag:s26] =	dma.local [spmem:s5], $0x1000  }
0x175: {  	_ =	swait.ge [sflag:s7], $0x1000  }
0x176: {  	[sflag:s7] =	ssyncset.done $0x0  }
0x177: {  	[sflag:s7] =	ssyncadd.s32 $0xFFFFF000  }
0x178: {  	[spmem:s5], [sflag:s28] =	dma.local [hbm:s19], $0x1000  }
0x179: {  	_ =	swait.ge [sflag:s9], $0x1000  }
0x17a: {  	[sflag:s9] =	ssyncset.done $0x0  }
0x17b: {  	[sflag:s9] =	ssyncadd.s32 $0xFFFFF000  }
0x17c: {  	[hbm:s18], [sflag:s29] =	dma.local [spmem:s13], $0x1000  }
0x17d: {  	_ =	swait.ge [sflag:s4], $0x1000  }
0x17e: {  	[sflag:s4] =	ssyncset.done $0x0  }
0x17f: {  	[sflag:s4] =	ssyncadd.s32 $0xFFFFF000  }
0x180: {  	[spmem:s13], [sflag:s2] =	dma.local [hbm:s17], $0x1000  }
0x181: {  	_ =	swait.ge [sflag:s11], $0x1000  }
0x182: {  	[sflag:s11] =	ssyncset.done $0x0  }
0x183: {  	[sflag:s11] =	ssyncadd.s32 $0xFFFFF000  }
0x184: {  	[hbm:s16], [sflag:s26] =	dma.local [spmem:s5], $0x1000  }
0x185: {  	_ =	swait.ge [sflag:s7], $0x1000  }
0x186: {  	[sflag:s7] =	ssyncset.done $0x0  }
0x187: {  	[sflag:s7] =	ssyncadd.s32 $0xFFFFF000  }
0x188: {  	[spmem:s5], [sflag:s28] =	dma.local [hbm:s15], $0x1000  }
0x189: {  	_ =	swait.ge [sflag:s9], $0x1000  }
0x18a: {  	[sflag:s9] =	ssyncset.done $0x0  }
0x18b: {  	[sflag:s9] =	ssyncadd.s32 $0xFFFFF000  }
0x18c: {  	[hbm:s14], [sflag:s29] =	dma.local [spmem:s13], $0x1000  }
0x18d: {  	_ =	swait.ge [sflag:s4], $0x1000  }
0x18e: {  	[sflag:s4] =	ssyncset.done $0x0  }
0x18f: {  	[sflag:s4] =	ssyncadd.s32 $0xFFFFF000  }
0x190: {  	[spmem:s13], [sflag:s2] =	dma.local [hbm:s12], $0x1000  }
0x191: {  	_ =	swait.ge [sflag:s11], $0x1000  }
0x192: {  	[sflag:s11] =	ssyncset.done $0x0  }
0x193: {  	[sflag:s11] =	ssyncadd.s32 $0xFFFFF000  }
0x194: {  	[hbm:s10], [sflag:s26] =	dma.local [spmem:s5], $0x1000  }
0x195: {  	_ =	swait.ge [sflag:s7], $0x1000  }
0x196: {  	[sflag:s7] =	ssyncset.done $0x0  }
0x197: {  	[sflag:s7] =	ssyncadd.s32 $0xFFFFF000  }
0x198: {  	[spmem:s5], [sflag:s28] =	dma.local [hbm:s8], $0x1000  }
0x199: {  	_ =	swait.ge [sflag:s9], $0x1000  }
0x19a: {  	[sflag:s9] =	ssyncset.done $0x0  }
0x19b: {  	[sflag:s9] =	ssyncadd.s32 $0xFFFFF000  }
0x19c: {  	[hbm:s6], [sflag:s29] =	dma.local [spmem:s13], $0x1000  }
0x19d: {  	_ =	swait.ge [sflag:s11], $0x1000  }
0x19e: {  	[sflag:s11] =	ssyncset.done $0x0  }
0x19f: {  	[sflag:s11] =	ssyncadd.s32 $0xFFFFF000  }
0x1a0: {  	[hbm:s3], [sflag:s26] =	dma.local [spmem:s5], $0x1000  }
0x1a1: {  	_ =	swait.ge [sflag:s4], $0x1000  }
0x1a2: {  	[sflag:s4] =	ssyncset.done $0x0  }
0x1a3: {  	[sflag:s4] =	ssyncadd.s32 $0xFFFFF000  }
0x1a4: {  	_ =	swait.ge [sflag:s7], $0x1000  }
0x1a5: {  	[sflag:s7] =	ssyncset.done $0x0  }
0x1a6: {  	[sflag:s7] =	ssyncadd.s32 $0xFFFFF000  }
0x1a7: {  	_ =	sfence.sel $0x180000  }
0x1a8: {  	[bflag:$0x0] =	sbarrier.arrive $0xFFFF  }
0x1a9: {  	p0 =	sne.s32 s1, $0x0;
	_ =	strace $0x90000047  }
0x1aa: {  	s0 =	sadd.s32 @!p0 $0x100000, s30;
	[bflag:$0x2] =	sbarrier.arrive $0xFFFF  }
0x1ab: {  	[sflag:s0] =	ssyncadd.tile.s32 @!p0 $0x1;
	_ =	shalt  }
.LBB2_2:
.Ltmp3:
0x1ac: {  	(pc) =	sbr.rel .LBB2_5-.Ltmp3, $2  }
0x1ad: {  	_ =	sdelay $0x2  }
0x1ae: {  	s30 =	rddreg [dreg:$0x3]  }
.Lfunc_end2:
_tile_overlayer_lowered:
.L_overlay_start_2:
0x1af: {  	(tag) =	ssettag $0x2  }
0x1b0: {  	s0 =	rddreg [dreg:$0x0];
	s2 =	stileid.u32  }
0x1b1: {  	s1 =	rddreg [dreg:$0x1];
	p0 =	sne.s32 s2, $0x0  }
0x1b2: {  	s3 =	rddreg [dreg:$0x2];
	[bflag:$0x3] =	sbarrier.arrive $0xFFFF;
	s2 =	simm.s32 @!p0 $0x1C05  }
0x1b3: {  	[timem:s3], [sflag:s2] =	dma.local @!p0 [hbm:s0], s1  }
0x1b4: {  	s0 =	simm.s32 @!p0 $0x5  }
0x1b5: {  	_ =	swait.ge @!p0 [sflag:s0], s1  }
0x1b6: {  	s1 =	ssub.s32 @!p0 $0x0, s1;
	[sflag:s0] =	ssyncset.done @!p0 $0x0  }
0x1b7: {  	[sflag:s0] =	ssyncadd.s32 @!p0 s1  }
0x1b8: {  	[bflag:$0x3] =	sbarrier.arrive $0xFFFF  }
0x1b9: {  	_ =	shalt  }

</sc_bundles>
